<compile_context>
chip_gen: v7x
topology: tpu7x:2x2x1
jax: 0.10.2.dev20260603
libtpu: 0.0.44.dev20260713+nightly
codegen_flags: <defaults>
</compile_context>

<pallas_src>
import jax
import jax.numpy as jnp
from jax import lax
from jax.experimental import pallas as pl
from jax.experimental.pallas import tpu as pltpu
from jax.experimental.pallas import tpu_sc as plsc

N = 650
NP = 768
PL = 6
E = 41600
HID = 256
BS = 64
NC = 2
NS = 16
GRP = 128
G0 = 20
EPW0 = G0 * GRP
NEXTRA = 5
HROWS = NP // NC
PLW = HROWS * GRP
TBLH = PL * PLW
SCRAP = 1024
TBLH_PAD = TBLH + SCRAP
CH_Z = TBLH_PAD // NS
CH_P = PLW // NS


def _sc_count_body(edge_hbm, out_hbm, src_v, dst_v, idx_v, ones_v,
                   zbuf, tbl_sh, sem, sem2):
    c = lax.axis_index("c")
    s = lax.axis_index("s")

    base = s * EPW0
    ld1 = pltpu.async_copy(edge_hbm.at[0, pl.ds(base, EPW0)],
                           src_v.at[pl.ds(0, EPW0)], sem)
    ld2 = pltpu.async_copy(edge_hbm.at[1, pl.ds(base, EPW0)],
                           dst_v.at[pl.ds(0, EPW0)], sem)

    zero16 = jnp.zeros((16,), jnp.float32)

    def _zf(i, carry):
        zbuf[pl.ds(i * 16, 16)] = zero16
        return carry

    lax.fori_loop(0, CH_Z // 16, _zf, 0, unroll=8)

    one16 = jnp.ones((16,), jnp.float32)
    for j in range(GRP // 16):
        ones_v[pl.ds(j * 16, 16)] = one16

    zdma = pltpu.async_copy(zbuf, tbl_sh.at[pl.ds(s * CH_Z, CH_Z)], sem)

    ld1.wait()
    ld2.wait()

    @pl.when(s < NEXTRA)
    def _():
        xb = NS * EPW0 + s * GRP
        pltpu.sync_copy(edge_hbm.at[0, pl.ds(xb, GRP)],
                        src_v.at[pl.ds(EPW0, GRP)])
        pltpu.sync_copy(edge_hbm.at[1, pl.ds(xb, GRP)],
                        dst_v.at[pl.ds(EPW0, GRP)])

    row0 = c * HROWS
    n_g = jnp.where(s < NEXTRA, G0 + 1, G0)

    def _idx_body(g, carry):
        for j in range(GRP // 16):
            o = g * GRP + j * 16
            sv = src_v[pl.ds(o, 16)]
            dv = dst_v[pl.ds(o, 16)]
            rel = dv - row0
            idx = (sv >> 7) * PLW + rel * GRP + (sv & 127)
            ok = (rel >= 0) & (rel < HROWS)
            idx_v[g, pl.ds(j * 16, 16)] = jnp.where(ok, idx, TBLH + sv)
        return carry

    lax.fori_loop(0, n_g, _idx_body, 0)

    zdma.wait()
    plsc.subcore_barrier()

    def _fire(g, carry):
        pltpu.async_copy(ones_v, tbl_sh.at[idx_v.at[g]], sem, add=True)
        return carry

    lax.fori_loop(0, G0, _fire, 0)

    @pl.when(s < NEXTRA)
    def _():
        pltpu.sync_copy(ones_v, tbl_sh.at[idx_v.at[G0]], add=True)

    pltpu.make_async_copy(out_hbm.at[pl.ds(0, EPW0)],
                          zbuf.at[pl.ds(0, EPW0)], sem).wait()
    plsc.subcore_barrier()

    pulls = [pltpu.async_copy(tbl_sh.at[pl.ds(p * PLW + s * CH_P, CH_P)],
                              zbuf.at[pl.ds(p * CH_P, CH_P)], sem)
             for p in range(PL)]
    for p in range(PL):
        pulls[p].wait()
        pltpu.async_copy(
            zbuf.at[pl.ds(p * CH_P, CH_P)],
            out_hbm.at[pl.ds(p * NC * PLW + c * PLW + s * CH_P, CH_P)],
            sem2)
    pltpu.make_async_copy(out_hbm.at[pl.ds(0, PL * CH_P)],
                          zbuf.at[pl.ds(0, PL * CH_P)], sem2).wait()


_SC_COUNT_CACHE = []


def _sc_count(edge_index):
    if not _SC_COUNT_CACHE:
        _SC_COUNT_CACHE.append(pl.kernel(
            _sc_count_body,
            out_type=jax.ShapeDtypeStruct((PL * NP * GRP,), jnp.float32),
            mesh=plsc.VectorSubcoreMesh(core_axis_name="c",
                                        subcore_axis_name="s",
                                        num_cores=NC, num_subcores=NS),
            scratch_types=[
                pltpu.VMEM((EPW0 + GRP,), jnp.int32),
                pltpu.VMEM((EPW0 + GRP,), jnp.int32),
                pltpu.VMEM((G0 + 1, GRP), jnp.int32),
                pltpu.VMEM((GRP,), jnp.float32),
                pltpu.VMEM((CH_Z,), jnp.float32),
                pltpu.VMEM_SHARED((TBLH_PAD,), jnp.float32),
                pltpu.SemaphoreType.DMA,
                pltpu.SemaphoreType.DMA,
            ],
        ))
    return _SC_COUNT_CACHE[0](edge_index)


def _dense_body(c_ref, x_ref, w1_ref, as1_ref, as1c_ref, ad1_ref, b1_ref,
                w4_ref, as4_ref, as4c_ref, ad4_ref, b4_ref, p_ref,
                bfc_ref, out_ref):
    f32 = jnp.float32
    Cs = [c_ref[k] for k in range(PL)]
    pens = [jnp.where(Ck > 0.0, 0.0, -1e30) for Ck in Cs]

    def gat(h, att_s, att_s_col, att_d, b):
        a_s = lax.dot_general(att_s, h, (((1,), (1,)), ((), ())),
                              preferred_element_type=f32)
        a_d = jnp.dot(h, att_d, preferred_element_type=f32)
        a_sd = jnp.dot(h, att_s_col, preferred_element_type=f32)
        ald = a_d + a_sd
        ald = jnp.maximum(ald, 0.2 * ald)
        alphas, ams = [], []
        for k in range(PL):
            al = a_d + a_s[:, k * GRP:(k + 1) * GRP]
            al = jnp.maximum(al, 0.2 * al)
            alphas.append(al)
            ams.append(jnp.max(al + pens[k], axis=1, keepdims=True))
        am = ald
        for k in range(PL):
            am = jnp.maximum(am, ams[k])
        es = [Cs[k] * jnp.exp(jnp.minimum(alphas[k] - am, 0.0))
              for k in range(PL)]
        ediag = jnp.exp(ald - am)
        denom = ediag
        for k in range(PL):
            denom = denom + es[k].sum(axis=1, keepdims=True)
        acc = ediag * h + jnp.dot(es[0], h[:GRP, :],
                                  preferred_element_type=f32)
        for k in range(1, PL):
            acc = acc + jnp.dot(es[k], h[k * GRP:(k + 1) * GRP, :],
                                preferred_element_type=f32)
        return acc * (1.0 / denom) + b

    h1 = jnp.dot(x_ref[:], w1_ref[:], preferred_element_type=f32)
    h = jnp.maximum(gat(h1, as1_ref[:], as1c_ref[:], ad1_ref[:],
                        b1_ref[:]), 0.0)
    h2 = jnp.dot(h, w4_ref[:], preferred_element_type=f32)
    g = gat(h2, as4_ref[:], as4c_ref[:], ad4_ref[:], b4_ref[:])
    g = jnp.where(g > 0.0, g, 0.01 * g)

    contrib = g[:N] * p_ref[:]
    r_i = lax.broadcasted_iota(jnp.int32, (N, BS), 0)
    c_i = lax.broadcasted_iota(jnp.int32, (N, BS), 1)
    f_i = r_i * BS + c_i
    in_first = (f_i // N) == ((r_i * BS) // N)
    s0 = jnp.sum(jnp.where(in_first, contrib, 0.0), axis=1, keepdims=True)
    s1 = jnp.sum(jnp.where(in_first, 0.0, contrib), axis=1, keepdims=True)
    bb = lax.broadcasted_iota(jnp.int32, (BS, N), 0)
    rr = lax.broadcasted_iota(jnp.int32, (BS, N), 1)
    b0 = (rr * BS) // N
    oh0 = jnp.where(b0 == bb, 1.0, 0.0)
    oh1 = jnp.where(b0 + 1 == bb, 1.0, 0.0)
    dn = (((0,), (1,)), ((), ()))
    o = (lax.dot_general(s0, oh0, dn, preferred_element_type=f32)
         + lax.dot_general(s1, oh1, dn, preferred_element_type=f32)
         + bfc_ref[:])
    out_ref[:] = 1.0 / (1.0 + jnp.exp(-o))


def kernel(x_s, x_t, edge_index, edge_attr, batch, W1, att_src1, att_dst1,
           b1, W4, att_src4, att_dst4, b4, Wfc, bfc):
    x = jnp.concatenate([x_s, x_t], axis=0)
    x = jnp.pad(x, ((0, NP - x.shape[0]), (0, 0)))

    tbl = _sc_count(edge_index)
    cpl = tbl.reshape(PL, NP, GRP)

    P = jnp.tile(Wfc[:, 0], BS)[:N * BS].reshape(N, BS)

    out = pl.pallas_call(
        _dense_body,
        out_shape=jax.ShapeDtypeStruct((1, BS), jnp.float32),
    )(cpl, x, W1,
      att_src1.reshape(1, HID), att_src1.reshape(HID, 1),
      att_dst1.reshape(HID, 1), b1.reshape(1, HID),
      W4, att_src4.reshape(1, BS), att_src4.reshape(BS, 1),
      att_dst4.reshape(BS, 1), b4.reshape(1, BS),
      P, bfc.reshape(1, 1))
    return out

# --- scband reference (transcript-rebuilt; emitter-appended) ---
"""Pipeline reference for scband-gatmodel-30459908063504 (READ-ONLY COPY).

The authoritative reference and input builder live on the scoring server;
editing this copy changes nothing except your own understanding.
"""

import jax, jax.numpy as jnp
import numpy as np

MAX_SIZE = 650
BATCH_SIZE = 64
IN_DIM = 256
HIDDEN = 256
N_EDGES = 41600


def setup_inputs(seed: int = 0) -> dict:
    key = jax.random.key(seed)
    ks = jax.random.split(key, 16)
    inp = {}
    inp['x_s'] = jax.random.normal(ks[0], (300, IN_DIM), dtype=jnp.float32)
    inp['x_t'] = jax.random.normal(ks[1], (300, IN_DIM), dtype=jnp.float32)
    inp['edge_index'] = jax.random.randint(ks[2], (2, N_EDGES), 0, MAX_SIZE, dtype=jnp.int32)
    inp['edge_attr'] = jax.random.uniform(ks[3], (N_EDGES, 1), dtype=jnp.float32)
    inp['batch'] = jnp.zeros((MAX_SIZE,), dtype=jnp.int32)
    # GATConv-1 params (in=256 -> out=256, heads=1)
    inp['W1'] = jax.random.normal(ks[4], (IN_DIM, HIDDEN), dtype=jnp.float32) * (1.0 / np.sqrt(IN_DIM))
    inp['att_src1'] = jax.random.normal(ks[5], (HIDDEN,), dtype=jnp.float32) * 0.1
    inp['att_dst1'] = jax.random.normal(ks[6], (HIDDEN,), dtype=jnp.float32) * 0.1
    inp['b1'] = jnp.zeros((HIDDEN,), dtype=jnp.float32)
    # GATConv-4 params (in=256 -> out=batch_size=64, heads=1)
    inp['W4'] = jax.random.normal(ks[7], (HIDDEN, BATCH_SIZE), dtype=jnp.float32) * (1.0 / np.sqrt(HIDDEN))
    inp['att_src4'] = jax.random.normal(ks[8], (BATCH_SIZE,), dtype=jnp.float32) * 0.1
    inp['att_dst4'] = jax.random.normal(ks[9], (BATCH_SIZE,), dtype=jnp.float32) * 0.1
    inp['b4'] = jnp.zeros((BATCH_SIZE,), dtype=jnp.float32)
    # fc: Linear(650, 1)
    inp['Wfc'] = jax.random.normal(ks[10], (MAX_SIZE, 1), dtype=jnp.float32) * (1.0 / np.sqrt(MAX_SIZE))
    inp['bfc'] = jnp.zeros((1,), dtype=jnp.float32)
    return inp


def _gat_conv(x, src, dst, W, a_src, a_dst, b):
    # PyG GATConv (heads=1, add_self_loops already applied to src/dst)
    h = x @ W                                   # [N, C]
    a_s = (h * a_src).sum(axis=-1)              # [N]
    a_d = (h * a_dst).sum(axis=-1)              # [N]
    alpha = a_s[src] + a_d[dst]                 # [E]
    alpha = jnp.where(alpha > 0, alpha, 0.2 * alpha)  # leaky_relu(0.2)
    amax = jax.ops.segment_max(alpha, dst, num_segments=MAX_SIZE)
    e = jnp.exp(alpha - amax[dst])
    denom = jax.ops.segment_sum(e, dst, num_segments=MAX_SIZE)
    coef = e / denom[dst]                       # softmax over incoming edges
    out = jax.ops.segment_sum(coef[:, None] * h[src], dst, num_segments=MAX_SIZE)
    return out + b


def reference(x_s, x_t, edge_index, edge_attr, batch, W1, att_src1, att_dst1, b1, W4, att_src4, att_dst4, b4, Wfc, bfc):
    # edge_attr is accepted but ignored: GATConv was built without edge_dim.
    x = jnp.concatenate([x_s, x_t], axis=0)
    pad = MAX_SIZE - x.shape[0]
    x = jnp.pad(x, ((0, pad), (0, 0)))
    loops = jnp.arange(MAX_SIZE, dtype=edge_index.dtype)
    src = jnp.concatenate([edge_index[0], loops])
    dst = jnp.concatenate([edge_index[1], loops])
    h = _gat_conv(x, src, dst, W1, att_src1, att_dst1, b1)
    h = jax.nn.relu(h)
    h = _gat_conv(h, src, dst, W4, att_src4, att_dst4, b4)
    h = jnp.where(h > 0, h, 0.01 * h)           # leaky_relu(0.01)
    h = h.reshape(BATCH_SIZE, MAX_SIZE)         # torch .view semantics = reshape
    out = h @ Wfc + bfc                         # [64, 1]
    out = out.reshape(1, BATCH_SIZE)
    return jax.nn.sigmoid(out)

if __name__ == "__main__":
    import jax
    _d = setup_inputs()
    print(jax.jit(kernel)(*tuple(_d.values())))

</pallas_src>

<mosaic_0001>
#map = affine_map<(d0, d1) -> (0, 0)>
#map1 = affine_map<(d0, d1) -> (0)>
module attributes {stable_mosaic.version = 14 : i64} {
  func.func @_sc_count_body(%arg0: i32, %arg1: i32, %arg2: memref<2x41600xi32, #tpu.memory_space<hbm>>, %arg3: memref<589824xf32, #tpu.memory_space<hbm>>, %arg4: memref<2688xi32, #tpu.memory_space<vmem>>, %arg5: memref<2688xi32, #tpu.memory_space<vmem>>, %arg6: memref<21x128xi32, #tpu.memory_space<vmem>>, %arg7: memref<128xf32, #tpu.memory_space<vmem>>, %arg8: memref<18496xf32, #tpu.memory_space<vmem>>, %arg9: memref<295936xf32, #tpu.memory_space<vmem_shared>>, %arg10: memref<!tpu.dma_semaphore, #tpu.memory_space<semaphore_mem>>, %arg11: memref<!tpu.dma_semaphore, #tpu.memory_space<semaphore_mem>>) attributes {dimension_semantics = [#tpu.dimension_semantics<core_parallel>, #tpu.dimension_semantics<subcore_parallel>], iteration_bounds = array<i64: 2, 16>, scalar_prefetch = 0 : i64, scratch_operands = 8 : i64, tpu.core_type = #tpu.core_type<sc_vector_subcore>, window_params = [{transform_indices = #map}, {transform_indices = #map1}]} {
    %mul3A = arith.constant 2560 : i32
    %mul3A_0 = arith.muli %arg1, %mul3A : i32
    %dma_start3A = arith.constant 0 : i32
    %dma_start3A_1 = arith.constant 0 : i32
    %dma_start3A_2 = tpu.memref_slice %arg4[%dma_start3A_1] : memref<2688xi32, #tpu.memory_space<vmem>> -> memref<2560xi32, #tpu.memory_space<vmem>>
    %dma_start3A_3 = tpu.memref_slice %arg2[%dma_start3A, %mul3A_0] : memref<2x41600xi32, #tpu.memory_space<hbm>> -> memref<1x2560xi32, #tpu.memory_space<hbm>>
    %dma_start3A_4 = tpu.memref_squeeze %dma_start3A_3 : memref<1x2560xi32, #tpu.memory_space<hbm>> -> memref<2560xi32, #tpu.memory_space<hbm>>
    %dma_start3A_5 = arith.constant 0 : i32
    %dma_start3A_6 = tpu.memref_slice %arg4[%dma_start3A_5] : memref<2688xi32, #tpu.memory_space<vmem>> -> memref<2560xi32, #tpu.memory_space<vmem>>
    %dma_start3A_7 = tpu.memref_slice %arg2[%dma_start3A, %mul3A_0] : memref<2x41600xi32, #tpu.memory_space<hbm>> -> memref<1x2560xi32, #tpu.memory_space<hbm>>
    %dma_start3A_8 = tpu.memref_squeeze %dma_start3A_7 : memref<1x2560xi32, #tpu.memory_space<hbm>> -> memref<2560xi32, #tpu.memory_space<hbm>>
    tpu.enqueue_dma source(%dma_start3A_8 : memref<2560xi32, #tpu.memory_space<hbm>>) target(%dma_start3A_6 : memref<2560xi32, #tpu.memory_space<vmem>>) target_semaphore(%arg10 : memref<!tpu.dma_semaphore, #tpu.memory_space<semaphore_mem>>)
    %dma_start3A_9 = arith.constant 1 : i32
    %dma_start3A_10 = arith.constant 0 : i32
    %dma_start3A_11 = tpu.memref_slice %arg5[%dma_start3A_10] : memref<2688xi32, #tpu.memory_space<vmem>> -> memref<2560xi32, #tpu.memory_space<vmem>>
    %dma_start3A_12 = tpu.memref_slice %arg2[%dma_start3A_9, %mul3A_0] : memref<2x41600xi32, #tpu.memory_space<hbm>> -> memref<1x2560xi32, #tpu.memory_space<hbm>>
    %dma_start3A_13 = tpu.memref_squeeze %dma_start3A_12 : memref<1x2560xi32, #tpu.memory_space<hbm>> -> memref<2560xi32, #tpu.memory_space<hbm>>
    %dma_start3A_14 = arith.constant 0 : i32
    %dma_start3A_15 = tpu.memref_slice %arg5[%dma_start3A_14] : memref<2688xi32, #tpu.memory_space<vmem>> -> memref<2560xi32, #tpu.memory_space<vmem>>
    %dma_start3A_16 = tpu.memref_slice %arg2[%dma_start3A_9, %mul3A_0] : memref<2x41600xi32, #tpu.memory_space<hbm>> -> memref<1x2560xi32, #tpu.memory_space<hbm>>
    %dma_start3A_17 = tpu.memref_squeeze %dma_start3A_16 : memref<1x2560xi32, #tpu.memory_space<hbm>> -> memref<2560xi32, #tpu.memory_space<hbm>>
    tpu.enqueue_dma source(%dma_start3A_17 : memref<2560xi32, #tpu.memory_space<hbm>>) target(%dma_start3A_15 : memref<2560xi32, #tpu.memory_space<vmem>>) target_semaphore(%arg10 : memref<!tpu.dma_semaphore, #tpu.memory_space<semaphore_mem>>)
    %broadcast_in_dim3A = arith.constant 0.000000e+00 : f32
    %broadcast_in_dim3A_18 = vector.broadcast %broadcast_in_dim3A : f32 to vector<16xf32>
    %scan3A = arith.constant 0 : i32
    %scan3A_19 = arith.constant 0 : i32
    %scan3A_20 = arith.constant 1152 : i32
    %scan3A_21 = arith.addi %scan3A_19, %scan3A_20 : i32
    %scan3A_22 = arith.constant 8 : i32
    scf.for %scan3A_329 = %scan3A_19 to %scan3A_21 step %scan3A_22  : i32 {
      %mul3A_330 = arith.constant 16 : i32
      %mul3A_331 = arith.muli %scan3A_329, %mul3A_330 : i32
      %swap3A_332 = arith.index_cast %mul3A_331 : i32 to index
      %swap3A_333 = tpu.vector_load %arg8[%swap3A_332] {strides = array<i32>} : memref<18496xf32, #tpu.memory_space<vmem>>, vector<16xf32>,
      %swap3A_334 = vector.shape_cast %swap3A_333 : vector<16xf32> to vector<16xf32>
      %swap3A_335 = vector.shape_cast %broadcast_in_dim3A_18 : vector<16xf32> to vector<16xf32>
      tpu.vector_store %arg8[%swap3A_332], %swap3A_335 {strides = array<i32>} : memref<18496xf32, #tpu.memory_space<vmem>>, vector<16xf32>,
      %scan3A_336 = arith.constant 1 : i32
      %scan3A_337 = arith.addi %scan3A_329, %scan3A_336 : i32
      %mul3A_338 = arith.constant 16 : i32
      %mul3A_339 = arith.muli %scan3A_337, %mul3A_338 : i32
      %swap3A_340 = arith.index_cast %mul3A_339 : i32 to index
      %swap3A_341 = tpu.vector_load %arg8[%swap3A_340] {strides = array<i32>} : memref<18496xf32, #tpu.memory_space<vmem>>, vector<16xf32>,
      %swap3A_342 = vector.shape_cast %swap3A_341 : vector<16xf32> to vector<16xf32>
      %swap3A_343 = vector.shape_cast %broadcast_in_dim3A_18 : vector<16xf32> to vector<16xf32>
      tpu.vector_store %arg8[%swap3A_340], %swap3A_343 {strides = array<i32>} : memref<18496xf32, #tpu.memory_space<vmem>>, vector<16xf32>,
      %scan3A_344 = arith.constant 2 : i32
      %scan3A_345 = arith.addi %scan3A_329, %scan3A_344 : i32
      %mul3A_346 = arith.constant 16 : i32
      %mul3A_347 = arith.muli %scan3A_345, %mul3A_346 : i32
      %swap3A_348 = arith.index_cast %mul3A_347 : i32 to index
      %swap3A_349 = tpu.vector_load %arg8[%swap3A_348] {strides = array<i32>} : memref<18496xf32, #tpu.memory_space<vmem>>, vector<16xf32>,
      %swap3A_350 = vector.shape_cast %swap3A_349 : vector<16xf32> to vector<16xf32>
      %swap3A_351 = vector.shape_cast %broadcast_in_dim3A_18 : vector<16xf32> to vector<16xf32>
      tpu.vector_store %arg8[%swap3A_348], %swap3A_351 {strides = array<i32>} : memref<18496xf32, #tpu.memory_space<vmem>>, vector<16xf32>,
      %scan3A_352 = arith.constant 3 : i32
      %scan3A_353 = arith.addi %scan3A_329, %scan3A_352 : i32
      %mul3A_354 = arith.constant 16 : i32
      %mul3A_355 = arith.muli %scan3A_353, %mul3A_354 : i32
      %swap3A_356 = arith.index_cast %mul3A_355 : i32 to index
      %swap3A_357 = tpu.vector_load %arg8[%swap3A_356] {strides = array<i32>} : memref<18496xf32, #tpu.memory_space<vmem>>, vector<16xf32>,
      %swap3A_358 = vector.shape_cast %swap3A_357 : vector<16xf32> to vector<16xf32>
      %swap3A_359 = vector.shape_cast %broadcast_in_dim3A_18 : vector<16xf32> to vector<16xf32>
      tpu.vector_store %arg8[%swap3A_356], %swap3A_359 {strides = array<i32>} : memref<18496xf32, #tpu.memory_space<vmem>>, vector<16xf32>,
      %scan3A_360 = arith.constant 4 : i32
      %scan3A_361 = arith.addi %scan3A_329, %scan3A_360 : i32
      %mul3A_362 = arith.constant 16 : i32
      %mul3A_363 = arith.muli %scan3A_361, %mul3A_362 : i32
      %swap3A_364 = arith.index_cast %mul3A_363 : i32 to index
      %swap3A_365 = tpu.vector_load %arg8[%swap3A_364] {strides = array<i32>} : memref<18496xf32, #tpu.memory_space<vmem>>, vector<16xf32>,
      %swap3A_366 = vector.shape_cast %swap3A_365 : vector<16xf32> to vector<16xf32>
      %swap3A_367 = vector.shape_cast %broadcast_in_dim3A_18 : vector<16xf32> to vector<16xf32>
      tpu.vector_store %arg8[%swap3A_364], %swap3A_367 {strides = array<i32>} : memref<18496xf32, #tpu.memory_space<vmem>>, vector<16xf32>,
      %scan3A_368 = arith.constant 5 : i32
      %scan3A_369 = arith.addi %scan3A_329, %scan3A_368 : i32
      %mul3A_370 = arith.constant 16 : i32
      %mul3A_371 = arith.muli %scan3A_369, %mul3A_370 : i32
      %swap3A_372 = arith.index_cast %mul3A_371 : i32 to index
      %swap3A_373 = tpu.vector_load %arg8[%swap3A_372] {strides = array<i32>} : memref<18496xf32, #tpu.memory_space<vmem>>, vector<16xf32>,
      %swap3A_374 = vector.shape_cast %swap3A_373 : vector<16xf32> to vector<16xf32>
      %swap3A_375 = vector.shape_cast %broadcast_in_dim3A_18 : vector<16xf32> to vector<16xf32>
      tpu.vector_store %arg8[%swap3A_372], %swap3A_375 {strides = array<i32>} : memref<18496xf32, #tpu.memory_space<vmem>>, vector<16xf32>,
      %scan3A_376 = arith.constant 6 : i32
      %scan3A_377 = arith.addi %scan3A_329, %scan3A_376 : i32
      %mul3A_378 = arith.constant 16 : i32
      %mul3A_379 = arith.muli %scan3A_377, %mul3A_378 : i32
      %swap3A_380 = arith.index_cast %mul3A_379 : i32 to index
      %swap3A_381 = tpu.vector_load %arg8[%swap3A_380] {strides = array<i32>} : memref<18496xf32, #tpu.memory_space<vmem>>, vector<16xf32>,
      %swap3A_382 = vector.shape_cast %swap3A_381 : vector<16xf32> to vector<16xf32>
      %swap3A_383 = vector.shape_cast %broadcast_in_dim3A_18 : vector<16xf32> to vector<16xf32>
      tpu.vector_store %arg8[%swap3A_380], %swap3A_383 {strides = array<i32>} : memref<18496xf32, #tpu.memory_space<vmem>>, vector<16xf32>,
      %scan3A_384 = arith.constant 7 : i32
      %scan3A_385 = arith.addi %scan3A_329, %scan3A_384 : i32
      %mul3A_386 = arith.constant 16 : i32
      %mul3A_387 = arith.muli %scan3A_385, %mul3A_386 : i32
      %swap3A_388 = arith.index_cast %mul3A_387 : i32 to index
      %swap3A_389 = tpu.vector_load %arg8[%swap3A_388] {strides = array<i32>} : memref<18496xf32, #tpu.memory_space<vmem>>, vector<16xf32>,
      %swap3A_390 = vector.shape_cast %swap3A_389 : vector<16xf32> to vector<16xf32>
      %swap3A_391 = vector.shape_cast %broadcast_in_dim3A_18 : vector<16xf32> to vector<16xf32>
      tpu.vector_store %arg8[%swap3A_388], %swap3A_391 {strides = array<i32>} : memref<18496xf32, #tpu.memory_space<vmem>>, vector<16xf32>,
    }
    %scan3A_23 = arith.constant 1152 : i32
    %scan3A_24 = arith.addi %scan3A_19, %scan3A_23 : i32
    %mul3A_25 = arith.constant 16 : i32
    %mul3A_26 = arith.muli %scan3A_24, %mul3A_25 : i32
    %swap3A = arith.index_cast %mul3A_26 : i32 to index
    %swap3A_27 = tpu.vector_load %arg8[%swap3A] {strides = array<i32>} : memref<18496xf32, #tpu.memory_space<vmem>>, vector<16xf32>,
    %swap3A_28 = vector.shape_cast %swap3A_27 : vector<16xf32> to vector<16xf32>
    %swap3A_29 = vector.shape_cast %broadcast_in_dim3A_18 : vector<16xf32> to vector<16xf32>
    tpu.vector_store %arg8[%swap3A], %swap3A_29 {strides = array<i32>} : memref<18496xf32, #tpu.memory_space<vmem>>, vector<16xf32>,
    %scan3A_30 = arith.constant 1153 : i32
    %scan3A_31 = arith.addi %scan3A_19, %scan3A_30 : i32
    %mul3A_32 = arith.constant 16 : i32
    %mul3A_33 = arith.muli %scan3A_31, %mul3A_32 : i32
    %swap3A_34 = arith.index_cast %mul3A_33 : i32 to index
    %swap3A_35 = tpu.vector_load %arg8[%swap3A_34] {strides = array<i32>} : memref<18496xf32, #tpu.memory_space<vmem>>, vector<16xf32>,
    %swap3A_36 = vector.shape_cast %swap3A_35 : vector<16xf32> to vector<16xf32>
    %swap3A_37 = vector.shape_cast %broadcast_in_dim3A_18 : vector<16xf32> to vector<16xf32>
    tpu.vector_store %arg8[%swap3A_34], %swap3A_37 {strides = array<i32>} : memref<18496xf32, #tpu.memory_space<vmem>>, vector<16xf32>,
    %scan3A_38 = arith.constant 1154 : i32
    %scan3A_39 = arith.addi %scan3A_19, %scan3A_38 : i32
    %mul3A_40 = arith.constant 16 : i32
    %mul3A_41 = arith.muli %scan3A_39, %mul3A_40 : i32
    %swap3A_42 = arith.index_cast %mul3A_41 : i32 to index
    %swap3A_43 = tpu.vector_load %arg8[%swap3A_42] {strides = array<i32>} : memref<18496xf32, #tpu.memory_space<vmem>>, vector<16xf32>,
    %swap3A_44 = vector.shape_cast %swap3A_43 : vector<16xf32> to vector<16xf32>
    %swap3A_45 = vector.shape_cast %broadcast_in_dim3A_18 : vector<16xf32> to vector<16xf32>
    tpu.vector_store %arg8[%swap3A_42], %swap3A_45 {strides = array<i32>} : memref<18496xf32, #tpu.memory_space<vmem>>, vector<16xf32>,
    %scan3A_46 = arith.constant 1155 : i32
    %scan3A_47 = arith.addi %scan3A_19, %scan3A_46 : i32
    %mul3A_48 = arith.constant 16 : i32
    %mul3A_49 = arith.muli %scan3A_47, %mul3A_48 : i32
    %swap3A_50 = arith.index_cast %mul3A_49 : i32 to index
    %swap3A_51 = tpu.vector_load %arg8[%swap3A_50] {strides = array<i32>} : memref<18496xf32, #tpu.memory_space<vmem>>, vector<16xf32>,
    %swap3A_52 = vector.shape_cast %swap3A_51 : vector<16xf32> to vector<16xf32>
    %swap3A_53 = vector.shape_cast %broadcast_in_dim3A_18 : vector<16xf32> to vector<16xf32>
    tpu.vector_store %arg8[%swap3A_50], %swap3A_53 {strides = array<i32>} : memref<18496xf32, #tpu.memory_space<vmem>>, vector<16xf32>,
    %scan3A_54 = arith.constant 1156 : i32
    %broadcast_in_dim3A_55 = arith.constant 1.000000e+00 : f32
    %broadcast_in_dim3A_56 = vector.broadcast %broadcast_in_dim3A_55 : f32 to vector<16xf32>
    %swap3A_57 = arith.constant 0 : index
    %swap3A_58 = tpu.vector_load %arg7[%swap3A_57] {strides = array<i32>} : memref<128xf32, #tpu.memory_space<vmem>>, vector<16xf32>,
    %swap3A_59 = vector.shape_cast %swap3A_58 : vector<16xf32> to vector<16xf32>
    %swap3A_60 = vector.shape_cast %broadcast_in_dim3A_56 : vector<16xf32> to vector<16xf32>
    tpu.vector_store %arg7[%swap3A_57], %swap3A_60 {strides = array<i32>} : memref<128xf32, #tpu.memory_space<vmem>>, vector<16xf32>,
    %swap3A_61 = arith.constant 16 : index
    %swap3A_62 = tpu.vector_load %arg7[%swap3A_61] {strides = array<i32>} : memref<128xf32, #tpu.memory_space<vmem>>, vector<16xf32>,
    %swap3A_63 = vector.shape_cast %swap3A_62 : vector<16xf32> to vector<16xf32>
    %swap3A_64 = vector.shape_cast %broadcast_in_dim3A_56 : vector<16xf32> to vector<16xf32>
    tpu.vector_store %arg7[%swap3A_61], %swap3A_64 {strides = array<i32>} : memref<128xf32, #tpu.memory_space<vmem>>, vector<16xf32>,
    %swap3A_65 = arith.constant 32 : index
    %swap3A_66 = tpu.vector_load %arg7[%swap3A_65] {strides = array<i32>} : memref<128xf32, #tpu.memory_space<vmem>>, vector<16xf32>,
    %swap3A_67 = vector.shape_cast %swap3A_66 : vector<16xf32> to vector<16xf32>
    %swap3A_68 = vector.shape_cast %broadcast_in_dim3A_56 : vector<16xf32> to vector<16xf32>
    tpu.vector_store %arg7[%swap3A_65], %swap3A_68 {strides = array<i32>} : memref<128xf32, #tpu.memory_space<vmem>>, vector<16xf32>,
    %swap3A_69 = arith.constant 48 : index
    %swap3A_70 = tpu.vector_load %arg7[%swap3A_69] {strides = array<i32>} : memref<128xf32, #tpu.memory_space<vmem>>, vector<16xf32>,
    %swap3A_71 = vector.shape_cast %swap3A_70 : vector<16xf32> to vector<16xf32>
    %swap3A_72 = vector.shape_cast %broadcast_in_dim3A_56 : vector<16xf32> to vector<16xf32>
    tpu.vector_store %arg7[%swap3A_69], %swap3A_72 {strides = array<i32>} : memref<128xf32, #tpu.memory_space<vmem>>, vector<16xf32>,
    %swap3A_73 = arith.constant 64 : index
    %swap3A_74 = tpu.vector_load %arg7[%swap3A_73] {strides = array<i32>} : memref<128xf32, #tpu.memory_space<vmem>>, vector<16xf32>,
    %swap3A_75 = vector.shape_cast %swap3A_74 : vector<16xf32> to vector<16xf32>
    %swap3A_76 = vector.shape_cast %broadcast_in_dim3A_56 : vector<16xf32> to vector<16xf32>
    tpu.vector_store %arg7[%swap3A_73], %swap3A_76 {strides = array<i32>} : memref<128xf32, #tpu.memory_space<vmem>>, vector<16xf32>,
    %swap3A_77 = arith.constant 80 : index
    %swap3A_78 = tpu.vector_load %arg7[%swap3A_77] {strides = array<i32>} : memref<128xf32, #tpu.memory_space<vmem>>, vector<16xf32>,
    %swap3A_79 = vector.shape_cast %swap3A_78 : vector<16xf32> to vector<16xf32>
    %swap3A_80 = vector.shape_cast %broadcast_in_dim3A_56 : vector<16xf32> to vector<16xf32>
    tpu.vector_store %arg7[%swap3A_77], %swap3A_80 {strides = array<i32>} : memref<128xf32, #tpu.memory_space<vmem>>, vector<16xf32>,
    %swap3A_81 = arith.constant 96 : index
    %swap3A_82 = tpu.vector_load %arg7[%swap3A_81] {strides = array<i32>} : memref<128xf32, #tpu.memory_space<vmem>>, vector<16xf32>,
    %swap3A_83 = vector.shape_cast %swap3A_82 : vector<16xf32> to vector<16xf32>
    %swap3A_84 = vector.shape_cast %broadcast_in_dim3A_56 : vector<16xf32> to vector<16xf32>
    tpu.vector_store %arg7[%swap3A_81], %swap3A_84 {strides = array<i32>} : memref<128xf32, #tpu.memory_space<vmem>>, vector<16xf32>,
    %swap3A_85 = arith.constant 112 : index
    %swap3A_86 = tpu.vector_load %arg7[%swap3A_85] {strides = array<i32>} : memref<128xf32, #tpu.memory_space<vmem>>, vector<16xf32>,
    %swap3A_87 = vector.shape_cast %swap3A_86 : vector<16xf32> to vector<16xf32>
    %swap3A_88 = vector.shape_cast %broadcast_in_dim3A_56 : vector<16xf32> to vector<16xf32>
    tpu.vector_store %arg7[%swap3A_85], %swap3A_88 {strides = array<i32>} : memref<128xf32, #tpu.memory_space<vmem>>, vector<16xf32>,
    %mul3A_89 = arith.constant 18496 : i32
    %mul3A_90 = arith.muli %arg1, %mul3A_89 : i32
    %dma_start3A_91 = tpu.memref_slice %arg9[%mul3A_90] : memref<295936xf32, #tpu.memory_space<vmem_shared>> -> memref<18496xf32, #tpu.memory_space<vmem_shared>>
    %dma_start3A_92 = tpu.memref_slice %arg9[%mul3A_90] : memref<295936xf32, #tpu.memory_space<vmem_shared>> -> memref<18496xf32, #tpu.memory_space<vmem_shared>>
    tpu.enqueue_dma source(%arg8 : memref<18496xf32, #tpu.memory_space<vmem>>) target(%dma_start3A_92 : memref<18496xf32, #tpu.memory_space<vmem_shared>>) target_semaphore(%arg10 : memref<!tpu.dma_semaphore, #tpu.memory_space<semaphore_mem>>)
    %dma_wait3A = arith.constant 0 : i32
    %dma_wait3A_93 = arith.constant 0 : i32
    %dma_wait3A_94 = tpu.memref_slice %arg4[%dma_wait3A_93] : memref<2688xi32, #tpu.memory_space<vmem>> -> memref<2560xi32, #tpu.memory_space<vmem>>
    %dma_wait3A_95 = tpu.memref_slice %arg2[%dma_wait3A, %mul3A_0] : memref<2x41600xi32, #tpu.memory_space<hbm>> -> memref<1x2560xi32, #tpu.memory_space<hbm>>
    %dma_wait3A_96 = tpu.memref_squeeze %dma_wait3A_95 : memref<1x2560xi32, #tpu.memory_space<hbm>> -> memref<2560xi32, #tpu.memory_space<hbm>>
    %dma_wait3A_97 = arith.constant 0 : i32
    %dma_wait3A_98 = tpu.memref_slice %arg4[%dma_wait3A_97] : memref<2688xi32, #tpu.memory_space<vmem>> -> memref<2560xi32, #tpu.memory_space<vmem>>
    %dma_wait3A_99 = tpu.memref_slice %arg2[%dma_wait3A, %mul3A_0] : memref<2x41600xi32, #tpu.memory_space<hbm>> -> memref<1x2560xi32, #tpu.memory_space<hbm>>
    %dma_wait3A_100 = tpu.memref_squeeze %dma_wait3A_99 : memref<1x2560xi32, #tpu.memory_space<hbm>> -> memref<2560xi32, #tpu.memory_space<hbm>>
    tpu.wait_dma2 semaphore(%arg10 : memref<!tpu.dma_semaphore, #tpu.memory_space<semaphore_mem>>) src(%dma_wait3A_100 : memref<2560xi32, #tpu.memory_space<hbm>>) dst(%dma_wait3A_98 : memref<2560xi32, #tpu.memory_space<vmem>>)
    %dma_wait3A_101 = arith.constant 1 : i32
    %dma_wait3A_102 = arith.constant 0 : i32
    %dma_wait3A_103 = tpu.memref_slice %arg5[%dma_wait3A_102] : memref<2688xi32, #tpu.memory_space<vmem>> -> memref<2560xi32, #tpu.memory_space<vmem>>
    %dma_wait3A_104 = tpu.memref_slice %arg2[%dma_wait3A_101, %mul3A_0] : memref<2x41600xi32, #tpu.memory_space<hbm>> -> memref<1x2560xi32, #tpu.memory_space<hbm>>
    %dma_wait3A_105 = tpu.memref_squeeze %dma_wait3A_104 : memref<1x2560xi32, #tpu.memory_space<hbm>> -> memref<2560xi32, #tpu.memory_space<hbm>>
    %dma_wait3A_106 = arith.constant 0 : i32
    %dma_wait3A_107 = tpu.memref_slice %arg5[%dma_wait3A_106] : memref<2688xi32, #tpu.memory_space<vmem>> -> memref<2560xi32, #tpu.memory_space<vmem>>
    %dma_wait3A_108 = tpu.memref_slice %arg2[%dma_wait3A_101, %mul3A_0] : memref<2x41600xi32, #tpu.memory_space<hbm>> -> memref<1x2560xi32, #tpu.memory_space<hbm>>
    %dma_wait3A_109 = tpu.memref_squeeze %dma_wait3A_108 : memref<1x2560xi32, #tpu.memory_space<hbm>> -> memref<2560xi32, #tpu.memory_space<hbm>>
    tpu.wait_dma2 semaphore(%arg10 : memref<!tpu.dma_semaphore, #tpu.memory_space<semaphore_mem>>) src(%dma_wait3A_109 : memref<2560xi32, #tpu.memory_space<hbm>>) dst(%dma_wait3A_107 : memref<2560xi32, #tpu.memory_space<vmem>>)
    %lt3A = arith.constant 5 : i32
    %lt3A_110 = arith.cmpi slt, %arg1, %lt3A : i32
    %convert_element_type3A = arith.extui %lt3A_110 : i1 to i32
    %cond3A = arith.constant 0 : i32
    %cond3A_111 = arith.cmpi ne, %convert_element_type3A, %cond3A : i32
    scf.if %cond3A_111 {
      %mul3A_329 = arith.constant 128 : i32
      %mul3A_330 = arith.muli %arg1, %mul3A_329 : i32
      %add3A_331 = arith.constant 40960 : i32
      %add3A_332 = arith.addi %add3A_331, %mul3A_330 : i32
      %run_scoped3A = arith.constant 0 : i32
      "tpu.region"() ({
        %run_scoped3A_334 = tpu.sem_alloc : memref<!tpu.dma_semaphore, #tpu.memory_space<semaphore_mem>>
        %dma_start3A_335 = arith.constant 2560 : i32
        %dma_start3A_336 = tpu.memref_slice %arg4[%dma_start3A_335] : memref<2688xi32, #tpu.memory_space<vmem>> -> memref<128xi32, #tpu.memory_space<vmem>>
        %dma_start3A_337 = tpu.memref_slice %arg2[%run_scoped3A, %add3A_332] : memref<2x41600xi32, #tpu.memory_space<hbm>> -> memref<1x128xi32, #tpu.memory_space<hbm>>
        %dma_start3A_338 = tpu.memref_squeeze %dma_start3A_337 : memref<1x128xi32, #tpu.memory_space<hbm>> -> memref<128xi32, #tpu.memory_space<hbm>>
        %dma_start3A_339 = arith.constant 2560 : i32
        %dma_start3A_340 = tpu.memref_slice %arg4[%dma_start3A_339] : memref<2688xi32, #tpu.memory_space<vmem>> -> memref<128xi32, #tpu.memory_space<vmem>>
        %dma_start3A_341 = tpu.memref_slice %arg2[%run_scoped3A, %add3A_332] : memref<2x41600xi32, #tpu.memory_space<hbm>> -> memref<1x128xi32, #tpu.memory_space<hbm>>
        %dma_start3A_342 = tpu.memref_squeeze %dma_start3A_341 : memref<1x128xi32, #tpu.memory_space<hbm>> -> memref<128xi32, #tpu.memory_space<hbm>>
        tpu.enqueue_dma source(%dma_start3A_342 : memref<128xi32, #tpu.memory_space<hbm>>) target(%dma_start3A_340 : memref<128xi32, #tpu.memory_space<vmem>>) target_semaphore(%run_scoped3A_334 : memref<!tpu.dma_semaphore, #tpu.memory_space<semaphore_mem>>)
        %dma_wait3A_343 = arith.constant 2560 : i32
        %dma_wait3A_344 = tpu.memref_slice %arg4[%dma_wait3A_343] : memref<2688xi32, #tpu.memory_space<vmem>> -> memref<128xi32, #tpu.memory_space<vmem>>
        %dma_wait3A_345 = tpu.memref_slice %arg2[%run_scoped3A, %add3A_332] : memref<2x41600xi32, #tpu.memory_space<hbm>> -> memref<1x128xi32, #tpu.memory_space<hbm>>
        %dma_wait3A_346 = tpu.memref_squeeze %dma_wait3A_345 : memref<1x128xi32, #tpu.memory_space<hbm>> -> memref<128xi32, #tpu.memory_space<hbm>>
        %dma_wait3A_347 = arith.constant 2560 : i32
        %dma_wait3A_348 = tpu.memref_slice %arg4[%dma_wait3A_347] : memref<2688xi32, #tpu.memory_space<vmem>> -> memref<128xi32, #tpu.memory_space<vmem>>
        %dma_wait3A_349 = tpu.memref_slice %arg2[%run_scoped3A, %add3A_332] : memref<2x41600xi32, #tpu.memory_space<hbm>> -> memref<1x128xi32, #tpu.memory_space<hbm>>
        %dma_wait3A_350 = tpu.memref_squeeze %dma_wait3A_349 : memref<1x128xi32, #tpu.memory_space<hbm>> -> memref<128xi32, #tpu.memory_space<hbm>>
        tpu.wait_dma2 semaphore(%run_scoped3A_334 : memref<!tpu.dma_semaphore, #tpu.memory_space<semaphore_mem>>) src(%dma_wait3A_350 : memref<128xi32, #tpu.memory_space<hbm>>) dst(%dma_wait3A_348 : memref<128xi32, #tpu.memory_space<vmem>>)
        tpu.yield
      }) : () -> ()
      %run_scoped3A_333 = arith.constant 1 : i32
      "tpu.region"() ({
        %run_scoped3A_334 = tpu.sem_alloc : memref<!tpu.dma_semaphore, #tpu.memory_space<semaphore_mem>>
        %dma_start3A_335 = arith.constant 2560 : i32
        %dma_start3A_336 = tpu.memref_slice %arg5[%dma_start3A_335] : memref<2688xi32, #tpu.memory_space<vmem>> -> memref<128xi32, #tpu.memory_space<vmem>>
        %dma_start3A_337 = tpu.memref_slice %arg2[%run_scoped3A_333, %add3A_332] : memref<2x41600xi32, #tpu.memory_space<hbm>> -> memref<1x128xi32, #tpu.memory_space<hbm>>
        %dma_start3A_338 = tpu.memref_squeeze %dma_start3A_337 : memref<1x128xi32, #tpu.memory_space<hbm>> -> memref<128xi32, #tpu.memory_space<hbm>>
        %dma_start3A_339 = arith.constant 2560 : i32
        %dma_start3A_340 = tpu.memref_slice %arg5[%dma_start3A_339] : memref<2688xi32, #tpu.memory_space<vmem>> -> memref<128xi32, #tpu.memory_space<vmem>>
        %dma_start3A_341 = tpu.memref_slice %arg2[%run_scoped3A_333, %add3A_332] : memref<2x41600xi32, #tpu.memory_space<hbm>> -> memref<1x128xi32, #tpu.memory_space<hbm>>
        %dma_start3A_342 = tpu.memref_squeeze %dma_start3A_341 : memref<1x128xi32, #tpu.memory_space<hbm>> -> memref<128xi32, #tpu.memory_space<hbm>>
        tpu.enqueue_dma source(%dma_start3A_342 : memref<128xi32, #tpu.memory_space<hbm>>) target(%dma_start3A_340 : memref<128xi32, #tpu.memory_space<vmem>>) target_semaphore(%run_scoped3A_334 : memref<!tpu.dma_semaphore, #tpu.memory_space<semaphore_mem>>)
        %dma_wait3A_343 = arith.constant 2560 : i32
        %dma_wait3A_344 = tpu.memref_slice %arg5[%dma_wait3A_343] : memref<2688xi32, #tpu.memory_space<vmem>> -> memref<128xi32, #tpu.memory_space<vmem>>
        %dma_wait3A_345 = tpu.memref_slice %arg2[%run_scoped3A_333, %add3A_332] : memref<2x41600xi32, #tpu.memory_space<hbm>> -> memref<1x128xi32, #tpu.memory_space<hbm>>
        %dma_wait3A_346 = tpu.memref_squeeze %dma_wait3A_345 : memref<1x128xi32, #tpu.memory_space<hbm>> -> memref<128xi32, #tpu.memory_space<hbm>>
        %dma_wait3A_347 = arith.constant 2560 : i32
        %dma_wait3A_348 = tpu.memref_slice %arg5[%dma_wait3A_347] : memref<2688xi32, #tpu.memory_space<vmem>> -> memref<128xi32, #tpu.memory_space<vmem>>
        %dma_wait3A_349 = tpu.memref_slice %arg2[%run_scoped3A_333, %add3A_332] : memref<2x41600xi32, #tpu.memory_space<hbm>> -> memref<1x128xi32, #tpu.memory_space<hbm>>
        %dma_wait3A_350 = tpu.memref_squeeze %dma_wait3A_349 : memref<1x128xi32, #tpu.memory_space<hbm>> -> memref<128xi32, #tpu.memory_space<hbm>>
        tpu.wait_dma2 semaphore(%run_scoped3A_334 : memref<!tpu.dma_semaphore, #tpu.memory_space<semaphore_mem>>) src(%dma_wait3A_350 : memref<128xi32, #tpu.memory_space<hbm>>) dst(%dma_wait3A_348 : memref<128xi32, #tpu.memory_space<vmem>>)
        tpu.yield
      }) : () -> ()
    } else {
    }
    %mul3A_112 = arith.constant 384 : i32
    %mul3A_113 = arith.muli %arg0, %mul3A_112 : i32
    %lt3A_114 = arith.constant 5 : i32
    %lt3A_115 = arith.cmpi slt, %arg1, %lt3A_114 : i32
    %jit3A = arith.constant 21 : i32
    %jit3A_116 = arith.constant 20 : i32
    %select_n3A = arith.select %lt3A_115, %jit3A, %jit3A_116 : i32
    %while3A = arith.constant 0 : i32
    %while3A_117 = arith.constant 0 : i32
    %while3A_118 = arith.subi %select_n3A, %while3A_117 : i32
    %while3A_119 = arith.addi %while3A_117, %while3A_118 : i32
    %while3A_120 = arith.constant 1 : i32
    %while3A_121 = arith.divsi %while3A_118, %while3A_120 : i32
    %while3A_122 = arith.muli %while3A_121, %while3A_120 : i32
    %while3A_123 = arith.addi %while3A_117, %while3A_122 : i32
    %while3A_124 = arith.constant 1 : i32
    scf.for %while3A_329 = %while3A_117 to %while3A_123 step %while3A_124  : i32 {
      %mul3A_330 = arith.constant 128 : i32
      %mul3A_331 = arith.muli %while3A_329, %mul3A_330 : i32
      %add3A_332 = arith.constant 0 : i32
      %add3A_333 = arith.addi %mul3A_331, %add3A_332 : i32
      %get3A = arith.index_cast %add3A_333 : i32 to index
      %get3A_334 = tpu.vector_load %arg4[%get3A] {strides = array<i32>} : memref<2688xi32, #tpu.memory_space<vmem>>, vector<16xi32>,
      %get3A_335 = vector.shape_cast %get3A_334 : vector<16xi32> to vector<16xi32>
      %get3A_336 = arith.index_cast %add3A_333 : i32 to index
      %get3A_337 = tpu.vector_load %arg5[%get3A_336] {strides = array<i32>} : memref<2688xi32, #tpu.memory_space<vmem>>, vector<16xi32>,
      %get3A_338 = vector.shape_cast %get3A_337 : vector<16xi32> to vector<16xi32>
      %sub3A = vector.broadcast %mul3A_113 : i32 to vector<16xi32>
      %sub3A_339 = arith.subi %get3A_338, %sub3A : vector<16xi32>
      %shift_right_arithmetic3A = arith.constant 7 : i32
      %shift_right_arithmetic3A_340 = vector.broadcast %shift_right_arithmetic3A : i32 to vector<16xi32>
      %shift_right_arithmetic3A_341 = arith.shrsi %get3A_335, %shift_right_arithmetic3A_340 : vector<16xi32>
      %mul3A_342 = arith.constant 49152 : i32
      %mul3A_343 = vector.broadcast %mul3A_342 : i32 to vector<16xi32>
      %mul3A_344 = arith.muli %shift_right_arithmetic3A_341, %mul3A_343 : vector<16xi32>
      %mul3A_345 = arith.constant 128 : i32
      %mul3A_346 = vector.broadcast %mul3A_345 : i32 to vector<16xi32>
      %mul3A_347 = arith.muli %sub3A_339, %mul3A_346 : vector<16xi32>
      %add3A_348 = arith.addi %mul3A_344, %mul3A_347 : vector<16xi32>
      %and3A = arith.constant 127 : i32
      %and3A_349 = vector.broadcast %and3A : i32 to vector<16xi32>
      %and3A_350 = arith.andi %get3A_335, %and3A_349 : vector<16xi32>
      %add3A_351 = arith.addi %add3A_348, %and3A_350 : vector<16xi32>
      %ge3A = arith.constant 0 : i32
      %ge3A_352 = vector.broadcast %ge3A : i32 to vector<16xi32>
      %ge3A_353 = arith.cmpi sge, %sub3A_339, %ge3A_352 : vector<16xi32>
      %lt3A_354 = arith.constant 384 : i32
      %lt3A_355 = vector.broadcast %lt3A_354 : i32 to vector<16xi32>
      %lt3A_356 = arith.cmpi slt, %sub3A_339, %lt3A_355 : vector<16xi32>
      %and3A_357 = arith.andi %ge3A_353, %lt3A_356 : vector<16xi1>
      %add3A_358 = arith.constant 294912 : i32
      %add3A_359 = vector.broadcast %add3A_358 : i32 to vector<16xi32>
      %add3A_360 = arith.addi %add3A_359, %get3A_335 : vector<16xi32>
      %select_n3A_361 = arith.select %and3A_357, %add3A_351, %add3A_360 : vector<16xi1>, vector<16xi32>
      %swap3A_362 = arith.index_cast %while3A_329 : i32 to index
      %swap3A_363 = arith.constant 0 : index
      %swap3A_364 = tpu.vector_load %arg6[%swap3A_362, %swap3A_363] {strides = array<i32>} : memref<21x128xi32, #tpu.memory_space<vmem>>, vector<1x16xi32>,
      %swap3A_365 = vector.shape_cast %swap3A_364 : vector<1x16xi32> to vector<16xi32>
      %swap3A_366 = vector.shape_cast %select_n3A_361 : vector<16xi32> to vector<1x16xi32>
      tpu.vector_store %arg6[%swap3A_362, %swap3A_363], %swap3A_366 {strides = array<i32>} : memref<21x128xi32, #tpu.memory_space<vmem>>, vector<1x16xi32>,
      %mul3A_367 = arith.constant 128 : i32
      %mul3A_368 = arith.muli %while3A_329, %mul3A_367 : i32
      %add3A_369 = arith.constant 16 : i32
      %add3A_370 = arith.addi %mul3A_368, %add3A_369 : i32
      %get3A_371 = arith.index_cast %add3A_370 : i32 to index
      %get3A_372 = tpu.vector_load %arg4[%get3A_371] {strides = array<i32>} : memref<2688xi32, #tpu.memory_space<vmem>>, vector<16xi32>,
      %get3A_373 = vector.shape_cast %get3A_372 : vector<16xi32> to vector<16xi32>
      %get3A_374 = arith.index_cast %add3A_370 : i32 to index
      %get3A_375 = tpu.vector_load %arg5[%get3A_374] {strides = array<i32>} : memref<2688xi32, #tpu.memory_space<vmem>>, vector<16xi32>,
      %get3A_376 = vector.shape_cast %get3A_375 : vector<16xi32> to vector<16xi32>
      %sub3A_377 = vector.broadcast %mul3A_113 : i32 to vector<16xi32>
      %sub3A_378 = arith.subi %get3A_376, %sub3A_377 : vector<16xi32>
      %shift_right_arithmetic3A_379 = arith.constant 7 : i32
      %shift_right_arithmetic3A_380 = vector.broadcast %shift_right_arithmetic3A_379 : i32 to vector<16xi32>
      %shift_right_arithmetic3A_381 = arith.shrsi %get3A_373, %shift_right_arithmetic3A_380 : vector<16xi32>
      %mul3A_382 = arith.constant 49152 : i32
      %mul3A_383 = vector.broadcast %mul3A_382 : i32 to vector<16xi32>
      %mul3A_384 = arith.muli %shift_right_arithmetic3A_381, %mul3A_383 : vector<16xi32>
      %mul3A_385 = arith.constant 128 : i32
      %mul3A_386 = vector.broadcast %mul3A_385 : i32 to vector<16xi32>
      %mul3A_387 = arith.muli %sub3A_378, %mul3A_386 : vector<16xi32>
      %add3A_388 = arith.addi %mul3A_384, %mul3A_387 : vector<16xi32>
      %and3A_389 = arith.constant 127 : i32
      %and3A_390 = vector.broadcast %and3A_389 : i32 to vector<16xi32>
      %and3A_391 = arith.andi %get3A_373, %and3A_390 : vector<16xi32>
      %add3A_392 = arith.addi %add3A_388, %and3A_391 : vector<16xi32>
      %ge3A_393 = arith.constant 0 : i32
      %ge3A_394 = vector.broadcast %ge3A_393 : i32 to vector<16xi32>
      %ge3A_395 = arith.cmpi sge, %sub3A_378, %ge3A_394 : vector<16xi32>
      %lt3A_396 = arith.constant 384 : i32
      %lt3A_397 = vector.broadcast %lt3A_396 : i32 to vector<16xi32>
      %lt3A_398 = arith.cmpi slt, %sub3A_378, %lt3A_397 : vector<16xi32>
      %and3A_399 = arith.andi %ge3A_395, %lt3A_398 : vector<16xi1>
      %add3A_400 = arith.constant 294912 : i32
      %add3A_401 = vector.broadcast %add3A_400 : i32 to vector<16xi32>
      %add3A_402 = arith.addi %add3A_401, %get3A_373 : vector<16xi32>
      %select_n3A_403 = arith.select %and3A_399, %add3A_392, %add3A_402 : vector<16xi1>, vector<16xi32>
      %swap3A_404 = arith.index_cast %while3A_329 : i32 to index
      %swap3A_405 = arith.constant 16 : index
      %swap3A_406 = tpu.vector_load %arg6[%swap3A_404, %swap3A_405] {strides = array<i32>} : memref<21x128xi32, #tpu.memory_space<vmem>>, vector<1x16xi32>,
      %swap3A_407 = vector.shape_cast %swap3A_406 : vector<1x16xi32> to vector<16xi32>
      %swap3A_408 = vector.shape_cast %select_n3A_403 : vector<16xi32> to vector<1x16xi32>
      tpu.vector_store %arg6[%swap3A_404, %swap3A_405], %swap3A_408 {strides = array<i32>} : memref<21x128xi32, #tpu.memory_space<vmem>>, vector<1x16xi32>,
      %mul3A_409 = arith.constant 128 : i32
      %mul3A_410 = arith.muli %while3A_329, %mul3A_409 : i32
      %add3A_411 = arith.constant 32 : i32
      %add3A_412 = arith.addi %mul3A_410, %add3A_411 : i32
      %get3A_413 = arith.index_cast %add3A_412 : i32 to index
      %get3A_414 = tpu.vector_load %arg4[%get3A_413] {strides = array<i32>} : memref<2688xi32, #tpu.memory_space<vmem>>, vector<16xi32>,
      %get3A_415 = vector.shape_cast %get3A_414 : vector<16xi32> to vector<16xi32>
      %get3A_416 = arith.index_cast %add3A_412 : i32 to index
      %get3A_417 = tpu.vector_load %arg5[%get3A_416] {strides = array<i32>} : memref<2688xi32, #tpu.memory_space<vmem>>, vector<16xi32>,
      %get3A_418 = vector.shape_cast %get3A_417 : vector<16xi32> to vector<16xi32>
      %sub3A_419 = vector.broadcast %mul3A_113 : i32 to vector<16xi32>
      %sub3A_420 = arith.subi %get3A_418, %sub3A_419 : vector<16xi32>
      %shift_right_arithmetic3A_421 = arith.constant 7 : i32
      %shift_right_arithmetic3A_422 = vector.broadcast %shift_right_arithmetic3A_421 : i32 to vector<16xi32>
      %shift_right_arithmetic3A_423 = arith.shrsi %get3A_415, %shift_right_arithmetic3A_422 : vector<16xi32>
      %mul3A_424 = arith.constant 49152 : i32
      %mul3A_425 = vector.broadcast %mul3A_424 : i32 to vector<16xi32>
      %mul3A_426 = arith.muli %shift_right_arithmetic3A_423, %mul3A_425 : vector<16xi32>
      %mul3A_427 = arith.constant 128 : i32
      %mul3A_428 = vector.broadcast %mul3A_427 : i32 to vector<16xi32>
      %mul3A_429 = arith.muli %sub3A_420, %mul3A_428 : vector<16xi32>
      %add3A_430 = arith.addi %mul3A_426, %mul3A_429 : vector<16xi32>
      %and3A_431 = arith.constant 127 : i32
      %and3A_432 = vector.broadcast %and3A_431 : i32 to vector<16xi32>
      %and3A_433 = arith.andi %get3A_415, %and3A_432 : vector<16xi32>
      %add3A_434 = arith.addi %add3A_430, %and3A_433 : vector<16xi32>
      %ge3A_435 = arith.constant 0 : i32
      %ge3A_436 = vector.broadcast %ge3A_435 : i32 to vector<16xi32>
      %ge3A_437 = arith.cmpi sge, %sub3A_420, %ge3A_436 : vector<16xi32>
      %lt3A_438 = arith.constant 384 : i32
      %lt3A_439 = vector.broadcast %lt3A_438 : i32 to vector<16xi32>
      %lt3A_440 = arith.cmpi slt, %sub3A_420, %lt3A_439 : vector<16xi32>
      %and3A_441 = arith.andi %ge3A_437, %lt3A_440 : vector<16xi1>
      %add3A_442 = arith.constant 294912 : i32
      %add3A_443 = vector.broadcast %add3A_442 : i32 to vector<16xi32>
      %add3A_444 = arith.addi %add3A_443, %get3A_415 : vector<16xi32>
      %select_n3A_445 = arith.select %and3A_441, %add3A_434, %add3A_444 : vector<16xi1>, vector<16xi32>
      %swap3A_446 = arith.index_cast %while3A_329 : i32 to index
      %swap3A_447 = arith.constant 32 : index
      %swap3A_448 = tpu.vector_load %arg6[%swap3A_446, %swap3A_447] {strides = array<i32>} : memref<21x128xi32, #tpu.memory_space<vmem>>, vector<1x16xi32>,
      %swap3A_449 = vector.shape_cast %swap3A_448 : vector<1x16xi32> to vector<16xi32>
      %swap3A_450 = vector.shape_cast %select_n3A_445 : vector<16xi32> to vector<1x16xi32>
      tpu.vector_store %arg6[%swap3A_446, %swap3A_447], %swap3A_450 {strides = array<i32>} : memref<21x128xi32, #tpu.memory_space<vmem>>, vector<1x16xi32>,
      %mul3A_451 = arith.constant 128 : i32
      %mul3A_452 = arith.muli %while3A_329, %mul3A_451 : i32
      %add3A_453 = arith.constant 48 : i32
      %add3A_454 = arith.addi %mul3A_452, %add3A_453 : i32
      %get3A_455 = arith.index_cast %add3A_454 : i32 to index
      %get3A_456 = tpu.vector_load %arg4[%get3A_455] {strides = array<i32>} : memref<2688xi32, #tpu.memory_space<vmem>>, vector<16xi32>,
      %get3A_457 = vector.shape_cast %get3A_456 : vector<16xi32> to vector<16xi32>
      %get3A_458 = arith.index_cast %add3A_454 : i32 to index
      %get3A_459 = tpu.vector_load %arg5[%get3A_458] {strides = array<i32>} : memref<2688xi32, #tpu.memory_space<vmem>>, vector<16xi32>,
      %get3A_460 = vector.shape_cast %get3A_459 : vector<16xi32> to vector<16xi32>
      %sub3A_461 = vector.broadcast %mul3A_113 : i32 to vector<16xi32>
      %sub3A_462 = arith.subi %get3A_460, %sub3A_461 : vector<16xi32>
      %shift_right_arithmetic3A_463 = arith.constant 7 : i32
      %shift_right_arithmetic3A_464 = vector.broadcast %shift_right_arithmetic3A_463 : i32 to vector<16xi32>
      %shift_right_arithmetic3A_465 = arith.shrsi %get3A_457, %shift_right_arithmetic3A_464 : vector<16xi32>
      %mul3A_466 = arith.constant 49152 : i32
      %mul3A_467 = vector.broadcast %mul3A_466 : i32 to vector<16xi32>
      %mul3A_468 = arith.muli %shift_right_arithmetic3A_465, %mul3A_467 : vector<16xi32>
      %mul3A_469 = arith.constant 128 : i32
      %mul3A_470 = vector.broadcast %mul3A_469 : i32 to vector<16xi32>
      %mul3A_471 = arith.muli %sub3A_462, %mul3A_470 : vector<16xi32>
      %add3A_472 = arith.addi %mul3A_468, %mul3A_471 : vector<16xi32>
      %and3A_473 = arith.constant 127 : i32
      %and3A_474 = vector.broadcast %and3A_473 : i32 to vector<16xi32>
      %and3A_475 = arith.andi %get3A_457, %and3A_474 : vector<16xi32>
      %add3A_476 = arith.addi %add3A_472, %and3A_475 : vector<16xi32>
      %ge3A_477 = arith.constant 0 : i32
      %ge3A_478 = vector.broadcast %ge3A_477 : i32 to vector<16xi32>
      %ge3A_479 = arith.cmpi sge, %sub3A_462, %ge3A_478 : vector<16xi32>
      %lt3A_480 = arith.constant 384 : i32
      %lt3A_481 = vector.broadcast %lt3A_480 : i32 to vector<16xi32>
      %lt3A_482 = arith.cmpi slt, %sub3A_462, %lt3A_481 : vector<16xi32>
      %and3A_483 = arith.andi %ge3A_479, %lt3A_482 : vector<16xi1>
      %add3A_484 = arith.constant 294912 : i32
      %add3A_485 = vector.broadcast %add3A_484 : i32 to vector<16xi32>
      %add3A_486 = arith.addi %add3A_485, %get3A_457 : vector<16xi32>
      %select_n3A_487 = arith.select %and3A_483, %add3A_476, %add3A_486 : vector<16xi1>, vector<16xi32>
      %swap3A_488 = arith.index_cast %while3A_329 : i32 to index
      %swap3A_489 = arith.constant 48 : index
      %swap3A_490 = tpu.vector_load %arg6[%swap3A_488, %swap3A_489] {strides = array<i32>} : memref<21x128xi32, #tpu.memory_space<vmem>>, vector<1x16xi32>,
      %swap3A_491 = vector.shape_cast %swap3A_490 : vector<1x16xi32> to vector<16xi32>
      %swap3A_492 = vector.shape_cast %select_n3A_487 : vector<16xi32> to vector<1x16xi32>
      tpu.vector_store %arg6[%swap3A_488, %swap3A_489], %swap3A_492 {strides = array<i32>} : memref<21x128xi32, #tpu.memory_space<vmem>>, vector<1x16xi32>,
      %mul3A_493 = arith.constant 128 : i32
      %mul3A_494 = arith.muli %while3A_329, %mul3A_493 : i32
      %add3A_495 = arith.constant 64 : i32
      %add3A_496 = arith.addi %mul3A_494, %add3A_495 : i32
      %get3A_497 = arith.index_cast %add3A_496 : i32 to index
      %get3A_498 = tpu.vector_load %arg4[%get3A_497] {strides = array<i32>} : memref<2688xi32, #tpu.memory_space<vmem>>, vector<16xi32>,
      %get3A_499 = vector.shape_cast %get3A_498 : vector<16xi32> to vector<16xi32>
      %get3A_500 = arith.index_cast %add3A_496 : i32 to index
      %get3A_501 = tpu.vector_load %arg5[%get3A_500] {strides = array<i32>} : memref<2688xi32, #tpu.memory_space<vmem>>, vector<16xi32>,
      %get3A_502 = vector.shape_cast %get3A_501 : vector<16xi32> to vector<16xi32>
      %sub3A_503 = vector.broadcast %mul3A_113 : i32 to vector<16xi32>
      %sub3A_504 = arith.subi %get3A_502, %sub3A_503 : vector<16xi32>
      %shift_right_arithmetic3A_505 = arith.constant 7 : i32
      %shift_right_arithmetic3A_506 = vector.broadcast %shift_right_arithmetic3A_505 : i32 to vector<16xi32>
      %shift_right_arithmetic3A_507 = arith.shrsi %get3A_499, %shift_right_arithmetic3A_506 : vector<16xi32>
      %mul3A_508 = arith.constant 49152 : i32
      %mul3A_509 = vector.broadcast %mul3A_508 : i32 to vector<16xi32>
      %mul3A_510 = arith.muli %shift_right_arithmetic3A_507, %mul3A_509 : vector<16xi32>
      %mul3A_511 = arith.constant 128 : i32
      %mul3A_512 = vector.broadcast %mul3A_511 : i32 to vector<16xi32>
      %mul3A_513 = arith.muli %sub3A_504, %mul3A_512 : vector<16xi32>
      %add3A_514 = arith.addi %mul3A_510, %mul3A_513 : vector<16xi32>
      %and3A_515 = arith.constant 127 : i32
      %and3A_516 = vector.broadcast %and3A_515 : i32 to vector<16xi32>
      %and3A_517 = arith.andi %get3A_499, %and3A_516 : vector<16xi32>
      %add3A_518 = arith.addi %add3A_514, %and3A_517 : vector<16xi32>
      %ge3A_519 = arith.constant 0 : i32
      %ge3A_520 = vector.broadcast %ge3A_519 : i32 to vector<16xi32>
      %ge3A_521 = arith.cmpi sge, %sub3A_504, %ge3A_520 : vector<16xi32>
      %lt3A_522 = arith.constant 384 : i32
      %lt3A_523 = vector.broadcast %lt3A_522 : i32 to vector<16xi32>
      %lt3A_524 = arith.cmpi slt, %sub3A_504, %lt3A_523 : vector<16xi32>
      %and3A_525 = arith.andi %ge3A_521, %lt3A_524 : vector<16xi1>
      %add3A_526 = arith.constant 294912 : i32
      %add3A_527 = vector.broadcast %add3A_526 : i32 to vector<16xi32>
      %add3A_528 = arith.addi %add3A_527, %get3A_499 : vector<16xi32>
      %select_n3A_529 = arith.select %and3A_525, %add3A_518, %add3A_528 : vector<16xi1>, vector<16xi32>
      %swap3A_530 = arith.index_cast %while3A_329 : i32 to index
      %swap3A_531 = arith.constant 64 : index
      %swap3A_532 = tpu.vector_load %arg6[%swap3A_530, %swap3A_531] {strides = array<i32>} : memref<21x128xi32, #tpu.memory_space<vmem>>, vector<1x16xi32>,
      %swap3A_533 = vector.shape_cast %swap3A_532 : vector<1x16xi32> to vector<16xi32>
      %swap3A_534 = vector.shape_cast %select_n3A_529 : vector<16xi32> to vector<1x16xi32>
      tpu.vector_store %arg6[%swap3A_530, %swap3A_531], %swap3A_534 {strides = array<i32>} : memref<21x128xi32, #tpu.memory_space<vmem>>, vector<1x16xi32>,
      %mul3A_535 = arith.constant 128 : i32
      %mul3A_536 = arith.muli %while3A_329, %mul3A_535 : i32
      %add3A_537 = arith.constant 80 : i32
      %add3A_538 = arith.addi %mul3A_536, %add3A_537 : i32
      %get3A_539 = arith.index_cast %add3A_538 : i32 to index
      %get3A_540 = tpu.vector_load %arg4[%get3A_539] {strides = array<i32>} : memref<2688xi32, #tpu.memory_space<vmem>>, vector<16xi32>,
      %get3A_541 = vector.shape_cast %get3A_540 : vector<16xi32> to vector<16xi32>
      %get3A_542 = arith.index_cast %add3A_538 : i32 to index
      %get3A_543 = tpu.vector_load %arg5[%get3A_542] {strides = array<i32>} : memref<2688xi32, #tpu.memory_space<vmem>>, vector<16xi32>,
      %get3A_544 = vector.shape_cast %get3A_543 : vector<16xi32> to vector<16xi32>
      %sub3A_545 = vector.broadcast %mul3A_113 : i32 to vector<16xi32>
      %sub3A_546 = arith.subi %get3A_544, %sub3A_545 : vector<16xi32>
      %shift_right_arithmetic3A_547 = arith.constant 7 : i32
      %shift_right_arithmetic3A_548 = vector.broadcast %shift_right_arithmetic3A_547 : i32 to vector<16xi32>
      %shift_right_arithmetic3A_549 = arith.shrsi %get3A_541, %shift_right_arithmetic3A_548 : vector<16xi32>
      %mul3A_550 = arith.constant 49152 : i32
      %mul3A_551 = vector.broadcast %mul3A_550 : i32 to vector<16xi32>
      %mul3A_552 = arith.muli %shift_right_arithmetic3A_549, %mul3A_551 : vector<16xi32>
      %mul3A_553 = arith.constant 128 : i32
      %mul3A_554 = vector.broadcast %mul3A_553 : i32 to vector<16xi32>
      %mul3A_555 = arith.muli %sub3A_546, %mul3A_554 : vector<16xi32>
      %add3A_556 = arith.addi %mul3A_552, %mul3A_555 : vector<16xi32>
      %and3A_557 = arith.constant 127 : i32
      %and3A_558 = vector.broadcast %and3A_557 : i32 to vector<16xi32>
      %and3A_559 = arith.andi %get3A_541, %and3A_558 : vector<16xi32>
      %add3A_560 = arith.addi %add3A_556, %and3A_559 : vector<16xi32>
      %ge3A_561 = arith.constant 0 : i32
      %ge3A_562 = vector.broadcast %ge3A_561 : i32 to vector<16xi32>
      %ge3A_563 = arith.cmpi sge, %sub3A_546, %ge3A_562 : vector<16xi32>
      %lt3A_564 = arith.constant 384 : i32
      %lt3A_565 = vector.broadcast %lt3A_564 : i32 to vector<16xi32>
      %lt3A_566 = arith.cmpi slt, %sub3A_546, %lt3A_565 : vector<16xi32>
      %and3A_567 = arith.andi %ge3A_563, %lt3A_566 : vector<16xi1>
      %add3A_568 = arith.constant 294912 : i32
      %add3A_569 = vector.broadcast %add3A_568 : i32 to vector<16xi32>
      %add3A_570 = arith.addi %add3A_569, %get3A_541 : vector<16xi32>
      %select_n3A_571 = arith.select %and3A_567, %add3A_560, %add3A_570 : vector<16xi1>, vector<16xi32>
      %swap3A_572 = arith.index_cast %while3A_329 : i32 to index
      %swap3A_573 = arith.constant 80 : index
      %swap3A_574 = tpu.vector_load %arg6[%swap3A_572, %swap3A_573] {strides = array<i32>} : memref<21x128xi32, #tpu.memory_space<vmem>>, vector<1x16xi32>,
      %swap3A_575 = vector.shape_cast %swap3A_574 : vector<1x16xi32> to vector<16xi32>
      %swap3A_576 = vector.shape_cast %select_n3A_571 : vector<16xi32> to vector<1x16xi32>
      tpu.vector_store %arg6[%swap3A_572, %swap3A_573], %swap3A_576 {strides = array<i32>} : memref<21x128xi32, #tpu.memory_space<vmem>>, vector<1x16xi32>,
      %mul3A_577 = arith.constant 128 : i32
      %mul3A_578 = arith.muli %while3A_329, %mul3A_577 : i32
      %add3A_579 = arith.constant 96 : i32
      %add3A_580 = arith.addi %mul3A_578, %add3A_579 : i32
      %get3A_581 = arith.index_cast %add3A_580 : i32 to index
      %get3A_582 = tpu.vector_load %arg4[%get3A_581] {strides = array<i32>} : memref<2688xi32, #tpu.memory_space<vmem>>, vector<16xi32>,
      %get3A_583 = vector.shape_cast %get3A_582 : vector<16xi32> to vector<16xi32>
      %get3A_584 = arith.index_cast %add3A_580 : i32 to index
      %get3A_585 = tpu.vector_load %arg5[%get3A_584] {strides = array<i32>} : memref<2688xi32, #tpu.memory_space<vmem>>, vector<16xi32>,
      %get3A_586 = vector.shape_cast %get3A_585 : vector<16xi32> to vector<16xi32>
      %sub3A_587 = vector.broadcast %mul3A_113 : i32 to vector<16xi32>
      %sub3A_588 = arith.subi %get3A_586, %sub3A_587 : vector<16xi32>
      %shift_right_arithmetic3A_589 = arith.constant 7 : i32
      %shift_right_arithmetic3A_590 = vector.broadcast %shift_right_arithmetic3A_589 : i32 to vector<16xi32>
      %shift_right_arithmetic3A_591 = arith.shrsi %get3A_583, %shift_right_arithmetic3A_590 : vector<16xi32>
      %mul3A_592 = arith.constant 49152 : i32
      %mul3A_593 = vector.broadcast %mul3A_592 : i32 to vector<16xi32>
      %mul3A_594 = arith.muli %shift_right_arithmetic3A_591, %mul3A_593 : vector<16xi32>
      %mul3A_595 = arith.constant 128 : i32
      %mul3A_596 = vector.broadcast %mul3A_595 : i32 to vector<16xi32>
      %mul3A_597 = arith.muli %sub3A_588, %mul3A_596 : vector<16xi32>
      %add3A_598 = arith.addi %mul3A_594, %mul3A_597 : vector<16xi32>
      %and3A_599 = arith.constant 127 : i32
      %and3A_600 = vector.broadcast %and3A_599 : i32 to vector<16xi32>
      %and3A_601 = arith.andi %get3A_583, %and3A_600 : vector<16xi32>
      %add3A_602 = arith.addi %add3A_598, %and3A_601 : vector<16xi32>
      %ge3A_603 = arith.constant 0 : i32
      %ge3A_604 = vector.broadcast %ge3A_603 : i32 to vector<16xi32>
      %ge3A_605 = arith.cmpi sge, %sub3A_588, %ge3A_604 : vector<16xi32>
      %lt3A_606 = arith.constant 384 : i32
      %lt3A_607 = vector.broadcast %lt3A_606 : i32 to vector<16xi32>
      %lt3A_608 = arith.cmpi slt, %sub3A_588, %lt3A_607 : vector<16xi32>
      %and3A_609 = arith.andi %ge3A_605, %lt3A_608 : vector<16xi1>
      %add3A_610 = arith.constant 294912 : i32
      %add3A_611 = vector.broadcast %add3A_610 : i32 to vector<16xi32>
      %add3A_612 = arith.addi %add3A_611, %get3A_583 : vector<16xi32>
      %select_n3A_613 = arith.select %and3A_609, %add3A_602, %add3A_612 : vector<16xi1>, vector<16xi32>
      %swap3A_614 = arith.index_cast %while3A_329 : i32 to index
      %swap3A_615 = arith.constant 96 : index
      %swap3A_616 = tpu.vector_load %arg6[%swap3A_614, %swap3A_615] {strides = array<i32>} : memref<21x128xi32, #tpu.memory_space<vmem>>, vector<1x16xi32>,
      %swap3A_617 = vector.shape_cast %swap3A_616 : vector<1x16xi32> to vector<16xi32>
      %swap3A_618 = vector.shape_cast %select_n3A_613 : vector<16xi32> to vector<1x16xi32>
      tpu.vector_store %arg6[%swap3A_614, %swap3A_615], %swap3A_618 {strides = array<i32>} : memref<21x128xi32, #tpu.memory_space<vmem>>, vector<1x16xi32>,
      %mul3A_619 = arith.constant 128 : i32
      %mul3A_620 = arith.muli %while3A_329, %mul3A_619 : i32
      %add3A_621 = arith.constant 112 : i32
      %add3A_622 = arith.addi %mul3A_620, %add3A_621 : i32
      %get3A_623 = arith.index_cast %add3A_622 : i32 to index
      %get3A_624 = tpu.vector_load %arg4[%get3A_623] {strides = array<i32>} : memref<2688xi32, #tpu.memory_space<vmem>>, vector<16xi32>,
      %get3A_625 = vector.shape_cast %get3A_624 : vector<16xi32> to vector<16xi32>
      %get3A_626 = arith.index_cast %add3A_622 : i32 to index
      %get3A_627 = tpu.vector_load %arg5[%get3A_626] {strides = array<i32>} : memref<2688xi32, #tpu.memory_space<vmem>>, vector<16xi32>,
      %get3A_628 = vector.shape_cast %get3A_627 : vector<16xi32> to vector<16xi32>
      %sub3A_629 = vector.broadcast %mul3A_113 : i32 to vector<16xi32>
      %sub3A_630 = arith.subi %get3A_628, %sub3A_629 : vector<16xi32>
      %shift_right_arithmetic3A_631 = arith.constant 7 : i32
      %shift_right_arithmetic3A_632 = vector.broadcast %shift_right_arithmetic3A_631 : i32 to vector<16xi32>
      %shift_right_arithmetic3A_633 = arith.shrsi %get3A_625, %shift_right_arithmetic3A_632 : vector<16xi32>
      %mul3A_634 = arith.constant 49152 : i32
      %mul3A_635 = vector.broadcast %mul3A_634 : i32 to vector<16xi32>
      %mul3A_636 = arith.muli %shift_right_arithmetic3A_633, %mul3A_635 : vector<16xi32>
      %mul3A_637 = arith.constant 128 : i32
      %mul3A_638 = vector.broadcast %mul3A_637 : i32 to vector<16xi32>
      %mul3A_639 = arith.muli %sub3A_630, %mul3A_638 : vector<16xi32>
      %add3A_640 = arith.addi %mul3A_636, %mul3A_639 : vector<16xi32>
      %and3A_641 = arith.constant 127 : i32
      %and3A_642 = vector.broadcast %and3A_641 : i32 to vector<16xi32>
      %and3A_643 = arith.andi %get3A_625, %and3A_642 : vector<16xi32>
      %add3A_644 = arith.addi %add3A_640, %and3A_643 : vector<16xi32>
      %ge3A_645 = arith.constant 0 : i32
      %ge3A_646 = vector.broadcast %ge3A_645 : i32 to vector<16xi32>
      %ge3A_647 = arith.cmpi sge, %sub3A_630, %ge3A_646 : vector<16xi32>
      %lt3A_648 = arith.constant 384 : i32
      %lt3A_649 = vector.broadcast %lt3A_648 : i32 to vector<16xi32>
      %lt3A_650 = arith.cmpi slt, %sub3A_630, %lt3A_649 : vector<16xi32>
      %and3A_651 = arith.andi %ge3A_647, %lt3A_650 : vector<16xi1>
      %add3A_652 = arith.constant 294912 : i32
      %add3A_653 = vector.broadcast %add3A_652 : i32 to vector<16xi32>
      %add3A_654 = arith.addi %add3A_653, %get3A_625 : vector<16xi32>
      %select_n3A_655 = arith.select %and3A_651, %add3A_644, %add3A_654 : vector<16xi1>, vector<16xi32>
      %swap3A_656 = arith.index_cast %while3A_329 : i32 to index
      %swap3A_657 = arith.constant 112 : index
      %swap3A_658 = tpu.vector_load %arg6[%swap3A_656, %swap3A_657] {strides = array<i32>} : memref<21x128xi32, #tpu.memory_space<vmem>>, vector<1x16xi32>,
      %swap3A_659 = vector.shape_cast %swap3A_658 : vector<1x16xi32> to vector<16xi32>
      %swap3A_660 = vector.shape_cast %select_n3A_655 : vector<16xi32> to vector<1x16xi32>
      tpu.vector_store %arg6[%swap3A_656, %swap3A_657], %swap3A_660 {strides = array<i32>} : memref<21x128xi32, #tpu.memory_space<vmem>>, vector<1x16xi32>,
    }
    %while3A_125 = arith.constant 1 : i32
    scf.for %while3A_329 = %while3A_123 to %while3A_119 step %while3A_125  : i32 {
      %mul3A_330 = arith.constant 128 : i32
      %mul3A_331 = arith.muli %while3A_329, %mul3A_330 : i32
      %add3A_332 = arith.constant 0 : i32
      %add3A_333 = arith.addi %mul3A_331, %add3A_332 : i32
      %get3A = arith.index_cast %add3A_333 : i32 to index
      %get3A_334 = tpu.vector_load %arg4[%get3A] {strides = array<i32>} : memref<2688xi32, #tpu.memory_space<vmem>>, vector<16xi32>,
      %get3A_335 = vector.shape_cast %get3A_334 : vector<16xi32> to vector<16xi32>
      %get3A_336 = arith.index_cast %add3A_333 : i32 to index
      %get3A_337 = tpu.vector_load %arg5[%get3A_336] {strides = array<i32>} : memref<2688xi32, #tpu.memory_space<vmem>>, vector<16xi32>,
      %get3A_338 = vector.shape_cast %get3A_337 : vector<16xi32> to vector<16xi32>
      %sub3A = vector.broadcast %mul3A_113 : i32 to vector<16xi32>
      %sub3A_339 = arith.subi %get3A_338, %sub3A : vector<16xi32>
      %shift_right_arithmetic3A = arith.constant 7 : i32
      %shift_right_arithmetic3A_340 = vector.broadcast %shift_right_arithmetic3A : i32 to vector<16xi32>
      %shift_right_arithmetic3A_341 = arith.shrsi %get3A_335, %shift_right_arithmetic3A_340 : vector<16xi32>
      %mul3A_342 = arith.constant 49152 : i32
      %mul3A_343 = vector.broadcast %mul3A_342 : i32 to vector<16xi32>
      %mul3A_344 = arith.muli %shift_right_arithmetic3A_341, %mul3A_343 : vector<16xi32>
      %mul3A_345 = arith.constant 128 : i32
      %mul3A_346 = vector.broadcast %mul3A_345 : i32 to vector<16xi32>
      %mul3A_347 = arith.muli %sub3A_339, %mul3A_346 : vector<16xi32>
      %add3A_348 = arith.addi %mul3A_344, %mul3A_347 : vector<16xi32>
      %and3A = arith.constant 127 : i32
      %and3A_349 = vector.broadcast %and3A : i32 to vector<16xi32>
      %and3A_350 = arith.andi %get3A_335, %and3A_349 : vector<16xi32>
      %add3A_351 = arith.addi %add3A_348, %and3A_350 : vector<16xi32>
      %ge3A = arith.constant 0 : i32
      %ge3A_352 = vector.broadcast %ge3A : i32 to vector<16xi32>
      %ge3A_353 = arith.cmpi sge, %sub3A_339, %ge3A_352 : vector<16xi32>
      %lt3A_354 = arith.constant 384 : i32
      %lt3A_355 = vector.broadcast %lt3A_354 : i32 to vector<16xi32>
      %lt3A_356 = arith.cmpi slt, %sub3A_339, %lt3A_355 : vector<16xi32>
      %and3A_357 = arith.andi %ge3A_353, %lt3A_356 : vector<16xi1>
      %add3A_358 = arith.constant 294912 : i32
      %add3A_359 = vector.broadcast %add3A_358 : i32 to vector<16xi32>
      %add3A_360 = arith.addi %add3A_359, %get3A_335 : vector<16xi32>
      %select_n3A_361 = arith.select %and3A_357, %add3A_351, %add3A_360 : vector<16xi1>, vector<16xi32>
      %swap3A_362 = arith.index_cast %while3A_329 : i32 to index
      %swap3A_363 = arith.constant 0 : index
      %swap3A_364 = tpu.vector_load %arg6[%swap3A_362, %swap3A_363] {strides = array<i32>} : memref<21x128xi32, #tpu.memory_space<vmem>>, vector<1x16xi32>,
      %swap3A_365 = vector.shape_cast %swap3A_364 : vector<1x16xi32> to vector<16xi32>
      %swap3A_366 = vector.shape_cast %select_n3A_361 : vector<16xi32> to vector<1x16xi32>
      tpu.vector_store %arg6[%swap3A_362, %swap3A_363], %swap3A_366 {strides = array<i32>} : memref<21x128xi32, #tpu.memory_space<vmem>>, vector<1x16xi32>,
      %mul3A_367 = arith.constant 128 : i32
      %mul3A_368 = arith.muli %while3A_329, %mul3A_367 : i32
      %add3A_369 = arith.constant 16 : i32
      %add3A_370 = arith.addi %mul3A_368, %add3A_369 : i32
      %get3A_371 = arith.index_cast %add3A_370 : i32 to index
      %get3A_372 = tpu.vector_load %arg4[%get3A_371] {strides = array<i32>} : memref<2688xi32, #tpu.memory_space<vmem>>, vector<16xi32>,
      %get3A_373 = vector.shape_cast %get3A_372 : vector<16xi32> to vector<16xi32>
      %get3A_374 = arith.index_cast %add3A_370 : i32 to index
      %get3A_375 = tpu.vector_load %arg5[%get3A_374] {strides = array<i32>} : memref<2688xi32, #tpu.memory_space<vmem>>, vector<16xi32>,
      %get3A_376 = vector.shape_cast %get3A_375 : vector<16xi32> to vector<16xi32>
      %sub3A_377 = vector.broadcast %mul3A_113 : i32 to vector<16xi32>
      %sub3A_378 = arith.subi %get3A_376, %sub3A_377 : vector<16xi32>
      %shift_right_arithmetic3A_379 = arith.constant 7 : i32
      %shift_right_arithmetic3A_380 = vector.broadcast %shift_right_arithmetic3A_379 : i32 to vector<16xi32>
      %shift_right_arithmetic3A_381 = arith.shrsi %get3A_373, %shift_right_arithmetic3A_380 : vector<16xi32>
      %mul3A_382 = arith.constant 49152 : i32
      %mul3A_383 = vector.broadcast %mul3A_382 : i32 to vector<16xi32>
      %mul3A_384 = arith.muli %shift_right_arithmetic3A_381, %mul3A_383 : vector<16xi32>
      %mul3A_385 = arith.constant 128 : i32
      %mul3A_386 = vector.broadcast %mul3A_385 : i32 to vector<16xi32>
      %mul3A_387 = arith.muli %sub3A_378, %mul3A_386 : vector<16xi32>
      %add3A_388 = arith.addi %mul3A_384, %mul3A_387 : vector<16xi32>
      %and3A_389 = arith.constant 127 : i32
      %and3A_390 = vector.broadcast %and3A_389 : i32 to vector<16xi32>
      %and3A_391 = arith.andi %get3A_373, %and3A_390 : vector<16xi32>
      %add3A_392 = arith.addi %add3A_388, %and3A_391 : vector<16xi32>
      %ge3A_393 = arith.constant 0 : i32
      %ge3A_394 = vector.broadcast %ge3A_393 : i32 to vector<16xi32>
      %ge3A_395 = arith.cmpi sge, %sub3A_378, %ge3A_394 : vector<16xi32>
      %lt3A_396 = arith.constant 384 : i32
      %lt3A_397 = vector.broadcast %lt3A_396 : i32 to vector<16xi32>
      %lt3A_398 = arith.cmpi slt, %sub3A_378, %lt3A_397 : vector<16xi32>
      %and3A_399 = arith.andi %ge3A_395, %lt3A_398 : vector<16xi1>
      %add3A_400 = arith.constant 294912 : i32
      %add3A_401 = vector.broadcast %add3A_400 : i32 to vector<16xi32>
      %add3A_402 = arith.addi %add3A_401, %get3A_373 : vector<16xi32>
      %select_n3A_403 = arith.select %and3A_399, %add3A_392, %add3A_402 : vector<16xi1>, vector<16xi32>
      %swap3A_404 = arith.index_cast %while3A_329 : i32 to index
      %swap3A_405 = arith.constant 16 : index
      %swap3A_406 = tpu.vector_load %arg6[%swap3A_404, %swap3A_405] {strides = array<i32>} : memref<21x128xi32, #tpu.memory_space<vmem>>, vector<1x16xi32>,
      %swap3A_407 = vector.shape_cast %swap3A_406 : vector<1x16xi32> to vector<16xi32>
      %swap3A_408 = vector.shape_cast %select_n3A_403 : vector<16xi32> to vector<1x16xi32>
      tpu.vector_store %arg6[%swap3A_404, %swap3A_405], %swap3A_408 {strides = array<i32>} : memref<21x128xi32, #tpu.memory_space<vmem>>, vector<1x16xi32>,
      %mul3A_409 = arith.constant 128 : i32
      %mul3A_410 = arith.muli %while3A_329, %mul3A_409 : i32
      %add3A_411 = arith.constant 32 : i32
      %add3A_412 = arith.addi %mul3A_410, %add3A_411 : i32
      %get3A_413 = arith.index_cast %add3A_412 : i32 to index
      %get3A_414 = tpu.vector_load %arg4[%get3A_413] {strides = array<i32>} : memref<2688xi32, #tpu.memory_space<vmem>>, vector<16xi32>,
      %get3A_415 = vector.shape_cast %get3A_414 : vector<16xi32> to vector<16xi32>
      %get3A_416 = arith.index_cast %add3A_412 : i32 to index
      %get3A_417 = tpu.vector_load %arg5[%get3A_416] {strides = array<i32>} : memref<2688xi32, #tpu.memory_space<vmem>>, vector<16xi32>,
      %get3A_418 = vector.shape_cast %get3A_417 : vector<16xi32> to vector<16xi32>
      %sub3A_419 = vector.broadcast %mul3A_113 : i32 to vector<16xi32>
      %sub3A_420 = arith.subi %get3A_418, %sub3A_419 : vector<16xi32>
      %shift_right_arithmetic3A_421 = arith.constant 7 : i32
      %shift_right_arithmetic3A_422 = vector.broadcast %shift_right_arithmetic3A_421 : i32 to vector<16xi32>
      %shift_right_arithmetic3A_423 = arith.shrsi %get3A_415, %shift_right_arithmetic3A_422 : vector<16xi32>
      %mul3A_424 = arith.constant 49152 : i32
      %mul3A_425 = vector.broadcast %mul3A_424 : i32 to vector<16xi32>
      %mul3A_426 = arith.muli %shift_right_arithmetic3A_423, %mul3A_425 : vector<16xi32>
      %mul3A_427 = arith.constant 128 : i32
      %mul3A_428 = vector.broadcast %mul3A_427 : i32 to vector<16xi32>
      %mul3A_429 = arith.muli %sub3A_420, %mul3A_428 : vector<16xi32>
      %add3A_430 = arith.addi %mul3A_426, %mul3A_429 : vector<16xi32>
      %and3A_431 = arith.constant 127 : i32
      %and3A_432 = vector.broadcast %and3A_431 : i32 to vector<16xi32>
      %and3A_433 = arith.andi %get3A_415, %and3A_432 : vector<16xi32>
      %add3A_434 = arith.addi %add3A_430, %and3A_433 : vector<16xi32>
      %ge3A_435 = arith.constant 0 : i32
      %ge3A_436 = vector.broadcast %ge3A_435 : i32 to vector<16xi32>
      %ge3A_437 = arith.cmpi sge, %sub3A_420, %ge3A_436 : vector<16xi32>
      %lt3A_438 = arith.constant 384 : i32
      %lt3A_439 = vector.broadcast %lt3A_438 : i32 to vector<16xi32>
      %lt3A_440 = arith.cmpi slt, %sub3A_420, %lt3A_439 : vector<16xi32>
      %and3A_441 = arith.andi %ge3A_437, %lt3A_440 : vector<16xi1>
      %add3A_442 = arith.constant 294912 : i32
      %add3A_443 = vector.broadcast %add3A_442 : i32 to vector<16xi32>
      %add3A_444 = arith.addi %add3A_443, %get3A_415 : vector<16xi32>
      %select_n3A_445 = arith.select %and3A_441, %add3A_434, %add3A_444 : vector<16xi1>, vector<16xi32>
      %swap3A_446 = arith.index_cast %while3A_329 : i32 to index
      %swap3A_447 = arith.constant 32 : index
      %swap3A_448 = tpu.vector_load %arg6[%swap3A_446, %swap3A_447] {strides = array<i32>} : memref<21x128xi32, #tpu.memory_space<vmem>>, vector<1x16xi32>,
      %swap3A_449 = vector.shape_cast %swap3A_448 : vector<1x16xi32> to vector<16xi32>
      %swap3A_450 = vector.shape_cast %select_n3A_445 : vector<16xi32> to vector<1x16xi32>
      tpu.vector_store %arg6[%swap3A_446, %swap3A_447], %swap3A_450 {strides = array<i32>} : memref<21x128xi32, #tpu.memory_space<vmem>>, vector<1x16xi32>,
      %mul3A_451 = arith.constant 128 : i32
      %mul3A_452 = arith.muli %while3A_329, %mul3A_451 : i32
      %add3A_453 = arith.constant 48 : i32
      %add3A_454 = arith.addi %mul3A_452, %add3A_453 : i32
      %get3A_455 = arith.index_cast %add3A_454 : i32 to index
      %get3A_456 = tpu.vector_load %arg4[%get3A_455] {strides = array<i32>} : memref<2688xi32, #tpu.memory_space<vmem>>, vector<16xi32>,
      %get3A_457 = vector.shape_cast %get3A_456 : vector<16xi32> to vector<16xi32>
      %get3A_458 = arith.index_cast %add3A_454 : i32 to index
      %get3A_459 = tpu.vector_load %arg5[%get3A_458] {strides = array<i32>} : memref<2688xi32, #tpu.memory_space<vmem>>, vector<16xi32>,
      %get3A_460 = vector.shape_cast %get3A_459 : vector<16xi32> to vector<16xi32>
      %sub3A_461 = vector.broadcast %mul3A_113 : i32 to vector<16xi32>
      %sub3A_462 = arith.subi %get3A_460, %sub3A_461 : vector<16xi32>
      %shift_right_arithmetic3A_463 = arith.constant 7 : i32
      %shift_right_arithmetic3A_464 = vector.broadcast %shift_right_arithmetic3A_463 : i32 to vector<16xi32>
      %shift_right_arithmetic3A_465 = arith.shrsi %get3A_457, %shift_right_arithmetic3A_464 : vector<16xi32>
      %mul3A_466 = arith.constant 49152 : i32
      %mul3A_467 = vector.broadcast %mul3A_466 : i32 to vector<16xi32>
      %mul3A_468 = arith.muli %shift_right_arithmetic3A_465, %mul3A_467 : vector<16xi32>
      %mul3A_469 = arith.constant 128 : i32
      %mul3A_470 = vector.broadcast %mul3A_469 : i32 to vector<16xi32>
      %mul3A_471 = arith.muli %sub3A_462, %mul3A_470 : vector<16xi32>
      %add3A_472 = arith.addi %mul3A_468, %mul3A_471 : vector<16xi32>
      %and3A_473 = arith.constant 127 : i32
      %and3A_474 = vector.broadcast %and3A_473 : i32 to vector<16xi32>
      %and3A_475 = arith.andi %get3A_457, %and3A_474 : vector<16xi32>
      %add3A_476 = arith.addi %add3A_472, %and3A_475 : vector<16xi32>
      %ge3A_477 = arith.constant 0 : i32
      %ge3A_478 = vector.broadcast %ge3A_477 : i32 to vector<16xi32>
      %ge3A_479 = arith.cmpi sge, %sub3A_462, %ge3A_478 : vector<16xi32>
      %lt3A_480 = arith.constant 384 : i32
      %lt3A_481 = vector.broadcast %lt3A_480 : i32 to vector<16xi32>
      %lt3A_482 = arith.cmpi slt, %sub3A_462, %lt3A_481 : vector<16xi32>
      %and3A_483 = arith.andi %ge3A_479, %lt3A_482 : vector<16xi1>
      %add3A_484 = arith.constant 294912 : i32
      %add3A_485 = vector.broadcast %add3A_484 : i32 to vector<16xi32>
      %add3A_486 = arith.addi %add3A_485, %get3A_457 : vector<16xi32>
      %select_n3A_487 = arith.select %and3A_483, %add3A_476, %add3A_486 : vector<16xi1>, vector<16xi32>
      %swap3A_488 = arith.index_cast %while3A_329 : i32 to index
      %swap3A_489 = arith.constant 48 : index
      %swap3A_490 = tpu.vector_load %arg6[%swap3A_488, %swap3A_489] {strides = array<i32>} : memref<21x128xi32, #tpu.memory_space<vmem>>, vector<1x16xi32>,
      %swap3A_491 = vector.shape_cast %swap3A_490 : vector<1x16xi32> to vector<16xi32>
      %swap3A_492 = vector.shape_cast %select_n3A_487 : vector<16xi32> to vector<1x16xi32>
      tpu.vector_store %arg6[%swap3A_488, %swap3A_489], %swap3A_492 {strides = array<i32>} : memref<21x128xi32, #tpu.memory_space<vmem>>, vector<1x16xi32>,
      %mul3A_493 = arith.constant 128 : i32
      %mul3A_494 = arith.muli %while3A_329, %mul3A_493 : i32
      %add3A_495 = arith.constant 64 : i32
      %add3A_496 = arith.addi %mul3A_494, %add3A_495 : i32
      %get3A_497 = arith.index_cast %add3A_496 : i32 to index
      %get3A_498 = tpu.vector_load %arg4[%get3A_497] {strides = array<i32>} : memref<2688xi32, #tpu.memory_space<vmem>>, vector<16xi32>,
      %get3A_499 = vector.shape_cast %get3A_498 : vector<16xi32> to vector<16xi32>
      %get3A_500 = arith.index_cast %add3A_496 : i32 to index
      %get3A_501 = tpu.vector_load %arg5[%get3A_500] {strides = array<i32>} : memref<2688xi32, #tpu.memory_space<vmem>>, vector<16xi32>,
      %get3A_502 = vector.shape_cast %get3A_501 : vector<16xi32> to vector<16xi32>
      %sub3A_503 = vector.broadcast %mul3A_113 : i32 to vector<16xi32>
      %sub3A_504 = arith.subi %get3A_502, %sub3A_503 : vector<16xi32>
      %shift_right_arithmetic3A_505 = arith.constant 7 : i32
      %shift_right_arithmetic3A_506 = vector.broadcast %shift_right_arithmetic3A_505 : i32 to vector<16xi32>
      %shift_right_arithmetic3A_507 = arith.shrsi %get3A_499, %shift_right_arithmetic3A_506 : vector<16xi32>
      %mul3A_508 = arith.constant 49152 : i32
      %mul3A_509 = vector.broadcast %mul3A_508 : i32 to vector<16xi32>
      %mul3A_510 = arith.muli %shift_right_arithmetic3A_507, %mul3A_509 : vector<16xi32>
      %mul3A_511 = arith.constant 128 : i32
      %mul3A_512 = vector.broadcast %mul3A_511 : i32 to vector<16xi32>
      %mul3A_513 = arith.muli %sub3A_504, %mul3A_512 : vector<16xi32>
      %add3A_514 = arith.addi %mul3A_510, %mul3A_513 : vector<16xi32>
      %and3A_515 = arith.constant 127 : i32
      %and3A_516 = vector.broadcast %and3A_515 : i32 to vector<16xi32>
      %and3A_517 = arith.andi %get3A_499, %and3A_516 : vector<16xi32>
      %add3A_518 = arith.addi %add3A_514, %and3A_517 : vector<16xi32>
      %ge3A_519 = arith.constant 0 : i32
      %ge3A_520 = vector.broadcast %ge3A_519 : i32 to vector<16xi32>
      %ge3A_521 = arith.cmpi sge, %sub3A_504, %ge3A_520 : vector<16xi32>
      %lt3A_522 = arith.constant 384 : i32
      %lt3A_523 = vector.broadcast %lt3A_522 : i32 to vector<16xi32>
      %lt3A_524 = arith.cmpi slt, %sub3A_504, %lt3A_523 : vector<16xi32>
      %and3A_525 = arith.andi %ge3A_521, %lt3A_524 : vector<16xi1>
      %add3A_526 = arith.constant 294912 : i32
      %add3A_527 = vector.broadcast %add3A_526 : i32 to vector<16xi32>
      %add3A_528 = arith.addi %add3A_527, %get3A_499 : vector<16xi32>
      %select_n3A_529 = arith.select %and3A_525, %add3A_518, %add3A_528 : vector<16xi1>, vector<16xi32>
      %swap3A_530 = arith.index_cast %while3A_329 : i32 to index
      %swap3A_531 = arith.constant 64 : index
      %swap3A_532 = tpu.vector_load %arg6[%swap3A_530, %swap3A_531] {strides = array<i32>} : memref<21x128xi32, #tpu.memory_space<vmem>>, vector<1x16xi32>,
      %swap3A_533 = vector.shape_cast %swap3A_532 : vector<1x16xi32> to vector<16xi32>
      %swap3A_534 = vector.shape_cast %select_n3A_529 : vector<16xi32> to vector<1x16xi32>
      tpu.vector_store %arg6[%swap3A_530, %swap3A_531], %swap3A_534 {strides = array<i32>} : memref<21x128xi32, #tpu.memory_space<vmem>>, vector<1x16xi32>,
      %mul3A_535 = arith.constant 128 : i32
      %mul3A_536 = arith.muli %while3A_329, %mul3A_535 : i32
      %add3A_537 = arith.constant 80 : i32
      %add3A_538 = arith.addi %mul3A_536, %add3A_537 : i32
      %get3A_539 = arith.index_cast %add3A_538 : i32 to index
      %get3A_540 = tpu.vector_load %arg4[%get3A_539] {strides = array<i32>} : memref<2688xi32, #tpu.memory_space<vmem>>, vector<16xi32>,
      %get3A_541 = vector.shape_cast %get3A_540 : vector<16xi32> to vector<16xi32>
      %get3A_542 = arith.index_cast %add3A_538 : i32 to index
      %get3A_543 = tpu.vector_load %arg5[%get3A_542] {strides = array<i32>} : memref<2688xi32, #tpu.memory_space<vmem>>, vector<16xi32>,
      %get3A_544 = vector.shape_cast %get3A_543 : vector<16xi32> to vector<16xi32>
      %sub3A_545 = vector.broadcast %mul3A_113 : i32 to vector<16xi32>
      %sub3A_546 = arith.subi %get3A_544, %sub3A_545 : vector<16xi32>
      %shift_right_arithmetic3A_547 = arith.constant 7 : i32
      %shift_right_arithmetic3A_548 = vector.broadcast %shift_right_arithmetic3A_547 : i32 to vector<16xi32>
      %shift_right_arithmetic3A_549 = arith.shrsi %get3A_541, %shift_right_arithmetic3A_548 : vector<16xi32>
      %mul3A_550 = arith.constant 49152 : i32
      %mul3A_551 = vector.broadcast %mul3A_550 : i32 to vector<16xi32>
      %mul3A_552 = arith.muli %shift_right_arithmetic3A_549, %mul3A_551 : vector<16xi32>
      %mul3A_553 = arith.constant 128 : i32
      %mul3A_554 = vector.broadcast %mul3A_553 : i32 to vector<16xi32>
      %mul3A_555 = arith.muli %sub3A_546, %mul3A_554 : vector<16xi32>
      %add3A_556 = arith.addi %mul3A_552, %mul3A_555 : vector<16xi32>
      %and3A_557 = arith.constant 127 : i32
      %and3A_558 = vector.broadcast %and3A_557 : i32 to vector<16xi32>
      %and3A_559 = arith.andi %get3A_541, %and3A_558 : vector<16xi32>
      %add3A_560 = arith.addi %add3A_556, %and3A_559 : vector<16xi32>
      %ge3A_561 = arith.constant 0 : i32
      %ge3A_562 = vector.broadcast %ge3A_561 : i32 to vector<16xi32>
      %ge3A_563 = arith.cmpi sge, %sub3A_546, %ge3A_562 : vector<16xi32>
      %lt3A_564 = arith.constant 384 : i32
      %lt3A_565 = vector.broadcast %lt3A_564 : i32 to vector<16xi32>
      %lt3A_566 = arith.cmpi slt, %sub3A_546, %lt3A_565 : vector<16xi32>
      %and3A_567 = arith.andi %ge3A_563, %lt3A_566 : vector<16xi1>
      %add3A_568 = arith.constant 294912 : i32
      %add3A_569 = vector.broadcast %add3A_568 : i32 to vector<16xi32>
      %add3A_570 = arith.addi %add3A_569, %get3A_541 : vector<16xi32>
      %select_n3A_571 = arith.select %and3A_567, %add3A_560, %add3A_570 : vector<16xi1>, vector<16xi32>
      %swap3A_572 = arith.index_cast %while3A_329 : i32 to index
      %swap3A_573 = arith.constant 80 : index
      %swap3A_574 = tpu.vector_load %arg6[%swap3A_572, %swap3A_573] {strides = array<i32>} : memref<21x128xi32, #tpu.memory_space<vmem>>, vector<1x16xi32>,
      %swap3A_575 = vector.shape_cast %swap3A_574 : vector<1x16xi32> to vector<16xi32>
      %swap3A_576 = vector.shape_cast %select_n3A_571 : vector<16xi32> to vector<1x16xi32>
      tpu.vector_store %arg6[%swap3A_572, %swap3A_573], %swap3A_576 {strides = array<i32>} : memref<21x128xi32, #tpu.memory_space<vmem>>, vector<1x16xi32>,
      %mul3A_577 = arith.constant 128 : i32
      %mul3A_578 = arith.muli %while3A_329, %mul3A_577 : i32
      %add3A_579 = arith.constant 96 : i32
      %add3A_580 = arith.addi %mul3A_578, %add3A_579 : i32
      %get3A_581 = arith.index_cast %add3A_580 : i32 to index
      %get3A_582 = tpu.vector_load %arg4[%get3A_581] {strides = array<i32>} : memref<2688xi32, #tpu.memory_space<vmem>>, vector<16xi32>,
      %get3A_583 = vector.shape_cast %get3A_582 : vector<16xi32> to vector<16xi32>
      %get3A_584 = arith.index_cast %add3A_580 : i32 to index
      %get3A_585 = tpu.vector_load %arg5[%get3A_584] {strides = array<i32>} : memref<2688xi32, #tpu.memory_space<vmem>>, vector<16xi32>,
      %get3A_586 = vector.shape_cast %get3A_585 : vector<16xi32> to vector<16xi32>
      %sub3A_587 = vector.broadcast %mul3A_113 : i32 to vector<16xi32>
      %sub3A_588 = arith.subi %get3A_586, %sub3A_587 : vector<16xi32>
      %shift_right_arithmetic3A_589 = arith.constant 7 : i32
      %shift_right_arithmetic3A_590 = vector.broadcast %shift_right_arithmetic3A_589 : i32 to vector<16xi32>
      %shift_right_arithmetic3A_591 = arith.shrsi %get3A_583, %shift_right_arithmetic3A_590 : vector<16xi32>
      %mul3A_592 = arith.constant 49152 : i32
      %mul3A_593 = vector.broadcast %mul3A_592 : i32 to vector<16xi32>
      %mul3A_594 = arith.muli %shift_right_arithmetic3A_591, %mul3A_593 : vector<16xi32>
      %mul3A_595 = arith.constant 128 : i32
      %mul3A_596 = vector.broadcast %mul3A_595 : i32 to vector<16xi32>
      %mul3A_597 = arith.muli %sub3A_588, %mul3A_596 : vector<16xi32>
      %add3A_598 = arith.addi %mul3A_594, %mul3A_597 : vector<16xi32>
      %and3A_599 = arith.constant 127 : i32
      %and3A_600 = vector.broadcast %and3A_599 : i32 to vector<16xi32>
      %and3A_601 = arith.andi %get3A_583, %and3A_600 : vector<16xi32>
      %add3A_602 = arith.addi %add3A_598, %and3A_601 : vector<16xi32>
      %ge3A_603 = arith.constant 0 : i32
      %ge3A_604 = vector.broadcast %ge3A_603 : i32 to vector<16xi32>
      %ge3A_605 = arith.cmpi sge, %sub3A_588, %ge3A_604 : vector<16xi32>
      %lt3A_606 = arith.constant 384 : i32
      %lt3A_607 = vector.broadcast %lt3A_606 : i32 to vector<16xi32>
      %lt3A_608 = arith.cmpi slt, %sub3A_588, %lt3A_607 : vector<16xi32>
      %and3A_609 = arith.andi %ge3A_605, %lt3A_608 : vector<16xi1>
      %add3A_610 = arith.constant 294912 : i32
      %add3A_611 = vector.broadcast %add3A_610 : i32 to vector<16xi32>
      %add3A_612 = arith.addi %add3A_611, %get3A_583 : vector<16xi32>
      %select_n3A_613 = arith.select %and3A_609, %add3A_602, %add3A_612 : vector<16xi1>, vector<16xi32>
      %swap3A_614 = arith.index_cast %while3A_329 : i32 to index
      %swap3A_615 = arith.constant 96 : index
      %swap3A_616 = tpu.vector_load %arg6[%swap3A_614, %swap3A_615] {strides = array<i32>} : memref<21x128xi32, #tpu.memory_space<vmem>>, vector<1x16xi32>,
      %swap3A_617 = vector.shape_cast %swap3A_616 : vector<1x16xi32> to vector<16xi32>
      %swap3A_618 = vector.shape_cast %select_n3A_613 : vector<16xi32> to vector<1x16xi32>
      tpu.vector_store %arg6[%swap3A_614, %swap3A_615], %swap3A_618 {strides = array<i32>} : memref<21x128xi32, #tpu.memory_space<vmem>>, vector<1x16xi32>,
      %mul3A_619 = arith.constant 128 : i32
      %mul3A_620 = arith.muli %while3A_329, %mul3A_619 : i32
      %add3A_621 = arith.constant 112 : i32
      %add3A_622 = arith.addi %mul3A_620, %add3A_621 : i32
      %get3A_623 = arith.index_cast %add3A_622 : i32 to index
      %get3A_624 = tpu.vector_load %arg4[%get3A_623] {strides = array<i32>} : memref<2688xi32, #tpu.memory_space<vmem>>, vector<16xi32>,
      %get3A_625 = vector.shape_cast %get3A_624 : vector<16xi32> to vector<16xi32>
      %get3A_626 = arith.index_cast %add3A_622 : i32 to index
      %get3A_627 = tpu.vector_load %arg5[%get3A_626] {strides = array<i32>} : memref<2688xi32, #tpu.memory_space<vmem>>, vector<16xi32>,
      %get3A_628 = vector.shape_cast %get3A_627 : vector<16xi32> to vector<16xi32>
      %sub3A_629 = vector.broadcast %mul3A_113 : i32 to vector<16xi32>
      %sub3A_630 = arith.subi %get3A_628, %sub3A_629 : vector<16xi32>
      %shift_right_arithmetic3A_631 = arith.constant 7 : i32
      %shift_right_arithmetic3A_632 = vector.broadcast %shift_right_arithmetic3A_631 : i32 to vector<16xi32>
      %shift_right_arithmetic3A_633 = arith.shrsi %get3A_625, %shift_right_arithmetic3A_632 : vector<16xi32>
      %mul3A_634 = arith.constant 49152 : i32
      %mul3A_635 = vector.broadcast %mul3A_634 : i32 to vector<16xi32>
      %mul3A_636 = arith.muli %shift_right_arithmetic3A_633, %mul3A_635 : vector<16xi32>
      %mul3A_637 = arith.constant 128 : i32
      %mul3A_638 = vector.broadcast %mul3A_637 : i32 to vector<16xi32>
      %mul3A_639 = arith.muli %sub3A_630, %mul3A_638 : vector<16xi32>
      %add3A_640 = arith.addi %mul3A_636, %mul3A_639 : vector<16xi32>
      %and3A_641 = arith.constant 127 : i32
      %and3A_642 = vector.broadcast %and3A_641 : i32 to vector<16xi32>
      %and3A_643 = arith.andi %get3A_625, %and3A_642 : vector<16xi32>
      %add3A_644 = arith.addi %add3A_640, %and3A_643 : vector<16xi32>
      %ge3A_645 = arith.constant 0 : i32
      %ge3A_646 = vector.broadcast %ge3A_645 : i32 to vector<16xi32>
      %ge3A_647 = arith.cmpi sge, %sub3A_630, %ge3A_646 : vector<16xi32>
      %lt3A_648 = arith.constant 384 : i32
      %lt3A_649 = vector.broadcast %lt3A_648 : i32 to vector<16xi32>
      %lt3A_650 = arith.cmpi slt, %sub3A_630, %lt3A_649 : vector<16xi32>
      %and3A_651 = arith.andi %ge3A_647, %lt3A_650 : vector<16xi1>
      %add3A_652 = arith.constant 294912 : i32
      %add3A_653 = vector.broadcast %add3A_652 : i32 to vector<16xi32>
      %add3A_654 = arith.addi %add3A_653, %get3A_625 : vector<16xi32>
      %select_n3A_655 = arith.select %and3A_651, %add3A_644, %add3A_654 : vector<16xi1>, vector<16xi32>
      %swap3A_656 = arith.index_cast %while3A_329 : i32 to index
      %swap3A_657 = arith.constant 112 : index
      %swap3A_658 = tpu.vector_load %arg6[%swap3A_656, %swap3A_657] {strides = array<i32>} : memref<21x128xi32, #tpu.memory_space<vmem>>, vector<1x16xi32>,
      %swap3A_659 = vector.shape_cast %swap3A_658 : vector<1x16xi32> to vector<16xi32>
      %swap3A_660 = vector.shape_cast %select_n3A_655 : vector<16xi32> to vector<1x16xi32>
      tpu.vector_store %arg6[%swap3A_656, %swap3A_657], %swap3A_660 {strides = array<i32>} : memref<21x128xi32, #tpu.memory_space<vmem>>, vector<1x16xi32>,
    }
    %dma_wait3A_126 = tpu.memref_slice %arg9[%mul3A_90] : memref<295936xf32, #tpu.memory_space<vmem_shared>> -> memref<18496xf32, #tpu.memory_space<vmem_shared>>
    %dma_wait3A_127 = tpu.memref_slice %arg9[%mul3A_90] : memref<295936xf32, #tpu.memory_space<vmem_shared>> -> memref<18496xf32, #tpu.memory_space<vmem_shared>>
    tpu.wait_dma2 semaphore(%arg10 : memref<!tpu.dma_semaphore, #tpu.memory_space<semaphore_mem>>) src(%arg8 : memref<18496xf32, #tpu.memory_space<vmem>>) dst(%dma_wait3A_127 : memref<18496xf32, #tpu.memory_space<vmem_shared>>)
    %barrier3A = arith.constant 0 : index
    tpu.barrier barrier_id(%barrier3A)
    %scan3A_128 = arith.constant 0 : i32
    %scan3A_129 = arith.constant 0 : i32
    %scan3A_130 = arith.constant 20 : i32
    %scan3A_131 = arith.addi %scan3A_129, %scan3A_130 : i32
    %scan3A_132 = arith.constant 1 : i32
    scf.for %scan3A_329 = %scan3A_129 to %scan3A_131 step %scan3A_132  : i32 {
      %dma_start3A_330 = arith.constant 0 : i32
      %dma_start3A_331 = tpu.memref_slice %arg6[%scan3A_329, %dma_start3A_330] : memref<21x128xi32, #tpu.memory_space<vmem>> -> memref<1x128xi32, #tpu.memory_space<vmem>>
      %dma_start3A_332 = tpu.memref_squeeze %dma_start3A_331 : memref<1x128xi32, #tpu.memory_space<vmem>> -> memref<128xi32, #tpu.memory_space<vmem>>
      %dma_start3A_333 = arith.constant 0 : i32
      %dma_start3A_334 = tpu.memref_slice %arg9[%dma_start3A_333] : memref<295936xf32, #tpu.memory_space<vmem_shared>> -> memref<295936xf32, #tpu.memory_space<vmem_shared>>
      tpu.enqueue_indirect_dma source(%arg7 : memref<128xf32, #tpu.memory_space<vmem>>) target(%dma_start3A_334 : memref<295936xf32, #tpu.memory_space<vmem_shared>>) offsets(%dma_start3A_332 : memref<128xi32, #tpu.memory_space<vmem>>) semaphore(%arg10 : memref<!tpu.dma_semaphore, #tpu.memory_space<semaphore_mem>>) {add = true}
    }
    %scan3A_133 = arith.constant 20 : i32
    %lt3A_134 = arith.constant 5 : i32
    %lt3A_135 = arith.cmpi slt, %arg1, %lt3A_134 : i32
    %convert_element_type3A_136 = arith.extui %lt3A_135 : i1 to i32
    %cond3A_137 = arith.constant 0 : i32
    %cond3A_138 = arith.cmpi ne, %convert_element_type3A_136, %cond3A_137 : i32
    scf.if %cond3A_138 {
      %run_scoped3A = arith.constant 20 : i32
      "tpu.region"() ({
        %run_scoped3A_329 = tpu.sem_alloc : memref<!tpu.dma_semaphore, #tpu.memory_space<semaphore_mem>>
        %dma_start3A_330 = arith.constant 0 : i32
        %dma_start3A_331 = tpu.memref_slice %arg6[%run_scoped3A, %dma_start3A_330] : memref<21x128xi32, #tpu.memory_space<vmem>> -> memref<1x128xi32, #tpu.memory_space<vmem>>
        %dma_start3A_332 = tpu.memref_squeeze %dma_start3A_331 : memref<1x128xi32, #tpu.memory_space<vmem>> -> memref<128xi32, #tpu.memory_space<vmem>>
        %dma_start3A_333 = arith.constant 0 : i32
        %dma_start3A_334 = tpu.memref_slice %arg9[%dma_start3A_333] : memref<295936xf32, #tpu.memory_space<vmem_shared>> -> memref<295936xf32, #tpu.memory_space<vmem_shared>>
        tpu.enqueue_indirect_dma source(%arg7 : memref<128xf32, #tpu.memory_space<vmem>>) target(%dma_start3A_334 : memref<295936xf32, #tpu.memory_space<vmem_shared>>) offsets(%dma_start3A_332 : memref<128xi32, #tpu.memory_space<vmem>>) semaphore(%run_scoped3A_329 : memref<!tpu.dma_semaphore, #tpu.memory_space<semaphore_mem>>) {add = true}
        %dma_wait3A_335 = arith.constant 0 : i32
        %dma_wait3A_336 = tpu.memref_slice %arg6[%run_scoped3A, %dma_wait3A_335] : memref<21x128xi32, #tpu.memory_space<vmem>> -> memref<1x128xi32, #tpu.memory_space<vmem>>
        %dma_wait3A_337 = tpu.memref_squeeze %dma_wait3A_336 : memref<1x128xi32, #tpu.memory_space<vmem>> -> memref<128xi32, #tpu.memory_space<vmem>>
        %dma_wait3A_338 = arith.constant 0 : i32
        %dma_wait3A_339 = tpu.memref_slice %arg9[%dma_wait3A_338] : memref<295936xf32, #tpu.memory_space<vmem_shared>> -> memref<295936xf32, #tpu.memory_space<vmem_shared>>
        tpu.wait_indirect_dma semaphore(%run_scoped3A_329 : memref<!tpu.dma_semaphore, #tpu.memory_space<semaphore_mem>>) src(%arg7 : memref<128xf32, #tpu.memory_space<vmem>>) dst(%dma_wait3A_339 : memref<295936xf32, #tpu.memory_space<vmem_shared>>)
        tpu.yield
      }) : () -> ()
    } else {
    }
    %dma_wait3A_139 = arith.constant 0 : i32
    %dma_wait3A_140 = tpu.memref_slice %arg8[%dma_wait3A_139] : memref<18496xf32, #tpu.memory_space<vmem>> -> memref<2560xf32, #tpu.memory_space<vmem>>
    %dma_wait3A_141 = arith.constant 0 : i32
    %dma_wait3A_142 = tpu.memref_slice %arg3[%dma_wait3A_141] : memref<589824xf32, #tpu.memory_space<hbm>> -> memref<2560xf32, #tpu.memory_space<hbm>>
    %dma_wait3A_143 = arith.constant 0 : i32
    %dma_wait3A_144 = tpu.memref_slice %arg8[%dma_wait3A_143] : memref<18496xf32, #tpu.memory_space<vmem>> -> memref<2560xf32, #tpu.memory_space<vmem>>
    %dma_wait3A_145 = arith.constant 0 : i32
    %dma_wait3A_146 = tpu.memref_slice %arg3[%dma_wait3A_145] : memref<589824xf32, #tpu.memory_space<hbm>> -> memref<2560xf32, #tpu.memory_space<hbm>>
    tpu.wait_dma2 semaphore(%arg10 : memref<!tpu.dma_semaphore, #tpu.memory_space<semaphore_mem>>) src(%dma_wait3A_146 : memref<2560xf32, #tpu.memory_space<hbm>>) dst(%dma_wait3A_144 : memref<2560xf32, #tpu.memory_space<vmem>>)
    %barrier3A_147 = arith.constant 0 : index
    tpu.barrier barrier_id(%barrier3A_147)
    %mul3A_148 = arith.constant 3072 : i32
    %mul3A_149 = arith.muli %arg1, %mul3A_148 : i32
    %add3A = arith.constant 0 : i32
    %add3A_150 = arith.addi %add3A, %mul3A_149 : i32
    %dma_start3A_151 = arith.constant 0 : i32
    %dma_start3A_152 = tpu.memref_slice %arg8[%dma_start3A_151] : memref<18496xf32, #tpu.memory_space<vmem>> -> memref<3072xf32, #tpu.memory_space<vmem>>
    %dma_start3A_153 = tpu.memref_slice %arg9[%add3A_150] : memref<295936xf32, #tpu.memory_space<vmem_shared>> -> memref<3072xf32, #tpu.memory_space<vmem_shared>>
    %dma_start3A_154 = arith.constant 0 : i32
    %dma_start3A_155 = tpu.memref_slice %arg8[%dma_start3A_154] : memref<18496xf32, #tpu.memory_space<vmem>> -> memref<3072xf32, #tpu.memory_space<vmem>>
    %dma_start3A_156 = tpu.memref_slice %arg9[%add3A_150] : memref<295936xf32, #tpu.memory_space<vmem_shared>> -> memref<3072xf32, #tpu.memory_space<vmem_shared>>
    tpu.enqueue_dma source(%dma_start3A_156 : memref<3072xf32, #tpu.memory_space<vmem_shared>>) target(%dma_start3A_155 : memref<3072xf32, #tpu.memory_space<vmem>>) target_semaphore(%arg10 : memref<!tpu.dma_semaphore, #tpu.memory_space<semaphore_mem>>)
    %mul3A_157 = arith.constant 3072 : i32
    %mul3A_158 = arith.muli %arg1, %mul3A_157 : i32
    %add3A_159 = arith.constant 49152 : i32
    %add3A_160 = arith.addi %add3A_159, %mul3A_158 : i32
    %dma_start3A_161 = arith.constant 3072 : i32
    %dma_start3A_162 = tpu.memref_slice %arg8[%dma_start3A_161] : memref<18496xf32, #tpu.memory_space<vmem>> -> memref<3072xf32, #tpu.memory_space<vmem>>
    %dma_start3A_163 = tpu.memref_slice %arg9[%add3A_160] : memref<295936xf32, #tpu.memory_space<vmem_shared>> -> memref<3072xf32, #tpu.memory_space<vmem_shared>>
    %dma_start3A_164 = arith.constant 3072 : i32
    %dma_start3A_165 = tpu.memref_slice %arg8[%dma_start3A_164] : memref<18496xf32, #tpu.memory_space<vmem>> -> memref<3072xf32, #tpu.memory_space<vmem>>
    %dma_start3A_166 = tpu.memref_slice %arg9[%add3A_160] : memref<295936xf32, #tpu.memory_space<vmem_shared>> -> memref<3072xf32, #tpu.memory_space<vmem_shared>>
    tpu.enqueue_dma source(%dma_start3A_166 : memref<3072xf32, #tpu.memory_space<vmem_shared>>) target(%dma_start3A_165 : memref<3072xf32, #tpu.memory_space<vmem>>) target_semaphore(%arg10 : memref<!tpu.dma_semaphore, #tpu.memory_space<semaphore_mem>>)
    %mul3A_167 = arith.constant 3072 : i32
    %mul3A_168 = arith.muli %arg1, %mul3A_167 : i32
    %add3A_169 = arith.constant 98304 : i32
    %add3A_170 = arith.addi %add3A_169, %mul3A_168 : i32
    %dma_start3A_171 = arith.constant 6144 : i32
    %dma_start3A_172 = tpu.memref_slice %arg8[%dma_start3A_171] : memref<18496xf32, #tpu.memory_space<vmem>> -> memref<3072xf32, #tpu.memory_space<vmem>>
    %dma_start3A_173 = tpu.memref_slice %arg9[%add3A_170] : memref<295936xf32, #tpu.memory_space<vmem_shared>> -> memref<3072xf32, #tpu.memory_space<vmem_shared>>
    %dma_start3A_174 = arith.constant 6144 : i32
    %dma_start3A_175 = tpu.memref_slice %arg8[%dma_start3A_174] : memref<18496xf32, #tpu.memory_space<vmem>> -> memref<3072xf32, #tpu.memory_space<vmem>>
    %dma_start3A_176 = tpu.memref_slice %arg9[%add3A_170] : memref<295936xf32, #tpu.memory_space<vmem_shared>> -> memref<3072xf32, #tpu.memory_space<vmem_shared>>
    tpu.enqueue_dma source(%dma_start3A_176 : memref<3072xf32, #tpu.memory_space<vmem_shared>>) target(%dma_start3A_175 : memref<3072xf32, #tpu.memory_space<vmem>>) target_semaphore(%arg10 : memref<!tpu.dma_semaphore, #tpu.memory_space<semaphore_mem>>)
    %mul3A_177 = arith.constant 3072 : i32
    %mul3A_178 = arith.muli %arg1, %mul3A_177 : i32
    %add3A_179 = arith.constant 147456 : i32
    %add3A_180 = arith.addi %add3A_179, %mul3A_178 : i32
    %dma_start3A_181 = arith.constant 9216 : i32
    %dma_start3A_182 = tpu.memref_slice %arg8[%dma_start3A_181] : memref<18496xf32, #tpu.memory_space<vmem>> -> memref<3072xf32, #tpu.memory_space<vmem>>
    %dma_start3A_183 = tpu.memref_slice %arg9[%add3A_180] : memref<295936xf32, #tpu.memory_space<vmem_shared>> -> memref<3072xf32, #tpu.memory_space<vmem_shared>>
    %dma_start3A_184 = arith.constant 9216 : i32
    %dma_start3A_185 = tpu.memref_slice %arg8[%dma_start3A_184] : memref<18496xf32, #tpu.memory_space<vmem>> -> memref<3072xf32, #tpu.memory_space<vmem>>
    %dma_start3A_186 = tpu.memref_slice %arg9[%add3A_180] : memref<295936xf32, #tpu.memory_space<vmem_shared>> -> memref<3072xf32, #tpu.memory_space<vmem_shared>>
    tpu.enqueue_dma source(%dma_start3A_186 : memref<3072xf32, #tpu.memory_space<vmem_shared>>) target(%dma_start3A_185 : memref<3072xf32, #tpu.memory_space<vmem>>) target_semaphore(%arg10 : memref<!tpu.dma_semaphore, #tpu.memory_space<semaphore_mem>>)
    %mul3A_187 = arith.constant 3072 : i32
    %mul3A_188 = arith.muli %arg1, %mul3A_187 : i32
    %add3A_189 = arith.constant 196608 : i32
    %add3A_190 = arith.addi %add3A_189, %mul3A_188 : i32
    %dma_start3A_191 = arith.constant 12288 : i32
    %dma_start3A_192 = tpu.memref_slice %arg8[%dma_start3A_191] : memref<18496xf32, #tpu.memory_space<vmem>> -> memref<3072xf32, #tpu.memory_space<vmem>>
    %dma_start3A_193 = tpu.memref_slice %arg9[%add3A_190] : memref<295936xf32, #tpu.memory_space<vmem_shared>> -> memref<3072xf32, #tpu.memory_space<vmem_shared>>
    %dma_start3A_194 = arith.constant 12288 : i32
    %dma_start3A_195 = tpu.memref_slice %arg8[%dma_start3A_194] : memref<18496xf32, #tpu.memory_space<vmem>> -> memref<3072xf32, #tpu.memory_space<vmem>>
    %dma_start3A_196 = tpu.memref_slice %arg9[%add3A_190] : memref<295936xf32, #tpu.memory_space<vmem_shared>> -> memref<3072xf32, #tpu.memory_space<vmem_shared>>
    tpu.enqueue_dma source(%dma_start3A_196 : memref<3072xf32, #tpu.memory_space<vmem_shared>>) target(%dma_start3A_195 : memref<3072xf32, #tpu.memory_space<vmem>>) target_semaphore(%arg10 : memref<!tpu.dma_semaphore, #tpu.memory_space<semaphore_mem>>)
    %mul3A_197 = arith.constant 3072 : i32
    %mul3A_198 = arith.muli %arg1, %mul3A_197 : i32
    %add3A_199 = arith.constant 245760 : i32
    %add3A_200 = arith.addi %add3A_199, %mul3A_198 : i32
    %dma_start3A_201 = arith.constant 15360 : i32
    %dma_start3A_202 = tpu.memref_slice %arg8[%dma_start3A_201] : memref<18496xf32, #tpu.memory_space<vmem>> -> memref<3072xf32, #tpu.memory_space<vmem>>
    %dma_start3A_203 = tpu.memref_slice %arg9[%add3A_200] : memref<295936xf32, #tpu.memory_space<vmem_shared>> -> memref<3072xf32, #tpu.memory_space<vmem_shared>>
    %dma_start3A_204 = arith.constant 15360 : i32
    %dma_start3A_205 = tpu.memref_slice %arg8[%dma_start3A_204] : memref<18496xf32, #tpu.memory_space<vmem>> -> memref<3072xf32, #tpu.memory_space<vmem>>
    %dma_start3A_206 = tpu.memref_slice %arg9[%add3A_200] : memref<295936xf32, #tpu.memory_space<vmem_shared>> -> memref<3072xf32, #tpu.memory_space<vmem_shared>>
    tpu.enqueue_dma source(%dma_start3A_206 : memref<3072xf32, #tpu.memory_space<vmem_shared>>) target(%dma_start3A_205 : memref<3072xf32, #tpu.memory_space<vmem>>) target_semaphore(%arg10 : memref<!tpu.dma_semaphore, #tpu.memory_space<semaphore_mem>>)
    %dma_wait3A_207 = arith.constant 0 : i32
    %dma_wait3A_208 = tpu.memref_slice %arg8[%dma_wait3A_207] : memref<18496xf32, #tpu.memory_space<vmem>> -> memref<3072xf32, #tpu.memory_space<vmem>>
    %dma_wait3A_209 = tpu.memref_slice %arg9[%add3A_150] : memref<295936xf32, #tpu.memory_space<vmem_shared>> -> memref<3072xf32, #tpu.memory_space<vmem_shared>>
    %dma_wait3A_210 = arith.constant 0 : i32
    %dma_wait3A_211 = tpu.memref_slice %arg8[%dma_wait3A_210] : memref<18496xf32, #tpu.memory_space<vmem>> -> memref<3072xf32, #tpu.memory_space<vmem>>
    %dma_wait3A_212 = tpu.memref_slice %arg9[%add3A_150] : memref<295936xf32, #tpu.memory_space<vmem_shared>> -> memref<3072xf32, #tpu.memory_space<vmem_shared>>
    tpu.wait_dma2 semaphore(%arg10 : memref<!tpu.dma_semaphore, #tpu.memory_space<semaphore_mem>>) src(%dma_wait3A_212 : memref<3072xf32, #tpu.memory_space<vmem_shared>>) dst(%dma_wait3A_211 : memref<3072xf32, #tpu.memory_space<vmem>>)
    %mul3A_213 = arith.constant 49152 : i32
    %mul3A_214 = arith.muli %arg0, %mul3A_213 : i32
    %add3A_215 = arith.constant 0 : i32
    %add3A_216 = arith.addi %add3A_215, %mul3A_214 : i32
    %mul3A_217 = arith.constant 3072 : i32
    %mul3A_218 = arith.muli %arg1, %mul3A_217 : i32
    %add3A_219 = arith.addi %add3A_216, %mul3A_218 : i32
    %dma_start3A_220 = arith.constant 0 : i32
    %dma_start3A_221 = tpu.memref_slice %arg8[%dma_start3A_220] : memref<18496xf32, #tpu.memory_space<vmem>> -> memref<3072xf32, #tpu.memory_space<vmem>>
    %dma_start3A_222 = tpu.memref_slice %arg3[%add3A_219] : memref<589824xf32, #tpu.memory_space<hbm>> -> memref<3072xf32, #tpu.memory_space<hbm>>
    %dma_start3A_223 = tpu.memref_slice %arg3[%add3A_219] : memref<589824xf32, #tpu.memory_space<hbm>> -> memref<3072xf32, #tpu.memory_space<hbm>>
    %dma_start3A_224 = arith.constant 0 : i32
    %dma_start3A_225 = tpu.memref_slice %arg8[%dma_start3A_224] : memref<18496xf32, #tpu.memory_space<vmem>> -> memref<3072xf32, #tpu.memory_space<vmem>>
    tpu.enqueue_dma source(%dma_start3A_225 : memref<3072xf32, #tpu.memory_space<vmem>>) target(%dma_start3A_223 : memref<3072xf32, #tpu.memory_space<hbm>>) target_semaphore(%arg11 : memref<!tpu.dma_semaphore, #tpu.memory_space<semaphore_mem>>)
    %dma_wait3A_226 = arith.constant 3072 : i32
    %dma_wait3A_227 = tpu.memref_slice %arg8[%dma_wait3A_226] : memref<18496xf32, #tpu.memory_space<vmem>> -> memref<3072xf32, #tpu.memory_space<vmem>>
    %dma_wait3A_228 = tpu.memref_slice %arg9[%add3A_160] : memref<295936xf32, #tpu.memory_space<vmem_shared>> -> memref<3072xf32, #tpu.memory_space<vmem_shared>>
    %dma_wait3A_229 = arith.constant 3072 : i32
    %dma_wait3A_230 = tpu.memref_slice %arg8[%dma_wait3A_229] : memref<18496xf32, #tpu.memory_space<vmem>> -> memref<3072xf32, #tpu.memory_space<vmem>>
    %dma_wait3A_231 = tpu.memref_slice %arg9[%add3A_160] : memref<295936xf32, #tpu.memory_space<vmem_shared>> -> memref<3072xf32, #tpu.memory_space<vmem_shared>>
    tpu.wait_dma2 semaphore(%arg10 : memref<!tpu.dma_semaphore, #tpu.memory_space<semaphore_mem>>) src(%dma_wait3A_231 : memref<3072xf32, #tpu.memory_space<vmem_shared>>) dst(%dma_wait3A_230 : memref<3072xf32, #tpu.memory_space<vmem>>)
    %mul3A_232 = arith.constant 49152 : i32
    %mul3A_233 = arith.muli %arg0, %mul3A_232 : i32
    %add3A_234 = arith.constant 98304 : i32
    %add3A_235 = arith.addi %add3A_234, %mul3A_233 : i32
    %mul3A_236 = arith.constant 3072 : i32
    %mul3A_237 = arith.muli %arg1, %mul3A_236 : i32
    %add3A_238 = arith.addi %add3A_235, %mul3A_237 : i32
    %dma_start3A_239 = arith.constant 3072 : i32
    %dma_start3A_240 = tpu.memref_slice %arg8[%dma_start3A_239] : memref<18496xf32, #tpu.memory_space<vmem>> -> memref<3072xf32, #tpu.memory_space<vmem>>
    %dma_start3A_241 = tpu.memref_slice %arg3[%add3A_238] : memref<589824xf32, #tpu.memory_space<hbm>> -> memref<3072xf32, #tpu.memory_space<hbm>>
    %dma_start3A_242 = tpu.memref_slice %arg3[%add3A_238] : memref<589824xf32, #tpu.memory_space<hbm>> -> memref<3072xf32, #tpu.memory_space<hbm>>
    %dma_start3A_243 = arith.constant 3072 : i32
    %dma_start3A_244 = tpu.memref_slice %arg8[%dma_start3A_243] : memref<18496xf32, #tpu.memory_space<vmem>> -> memref<3072xf32, #tpu.memory_space<vmem>>
    tpu.enqueue_dma source(%dma_start3A_244 : memref<3072xf32, #tpu.memory_space<vmem>>) target(%dma_start3A_242 : memref<3072xf32, #tpu.memory_space<hbm>>) target_semaphore(%arg11 : memref<!tpu.dma_semaphore, #tpu.memory_space<semaphore_mem>>)
    %dma_wait3A_245 = arith.constant 6144 : i32
    %dma_wait3A_246 = tpu.memref_slice %arg8[%dma_wait3A_245] : memref<18496xf32, #tpu.memory_space<vmem>> -> memref<3072xf32, #tpu.memory_space<vmem>>
    %dma_wait3A_247 = tpu.memref_slice %arg9[%add3A_170] : memref<295936xf32, #tpu.memory_space<vmem_shared>> -> memref<3072xf32, #tpu.memory_space<vmem_shared>>
    %dma_wait3A_248 = arith.constant 6144 : i32
    %dma_wait3A_249 = tpu.memref_slice %arg8[%dma_wait3A_248] : memref<18496xf32, #tpu.memory_space<vmem>> -> memref<3072xf32, #tpu.memory_space<vmem>>
    %dma_wait3A_250 = tpu.memref_slice %arg9[%add3A_170] : memref<295936xf32, #tpu.memory_space<vmem_shared>> -> memref<3072xf32, #tpu.memory_space<vmem_shared>>
    tpu.wait_dma2 semaphore(%arg10 : memref<!tpu.dma_semaphore, #tpu.memory_space<semaphore_mem>>) src(%dma_wait3A_250 : memref<3072xf32, #tpu.memory_space<vmem_shared>>) dst(%dma_wait3A_249 : memref<3072xf32, #tpu.memory_space<vmem>>)
    %mul3A_251 = arith.constant 49152 : i32
    %mul3A_252 = arith.muli %arg0, %mul3A_251 : i32
    %add3A_253 = arith.constant 196608 : i32
    %add3A_254 = arith.addi %add3A_253, %mul3A_252 : i32
    %mul3A_255 = arith.constant 3072 : i32
    %mul3A_256 = arith.muli %arg1, %mul3A_255 : i32
    %add3A_257 = arith.addi %add3A_254, %mul3A_256 : i32
    %dma_start3A_258 = arith.constant 6144 : i32
    %dma_start3A_259 = tpu.memref_slice %arg8[%dma_start3A_258] : memref<18496xf32, #tpu.memory_space<vmem>> -> memref<3072xf32, #tpu.memory_space<vmem>>
    %dma_start3A_260 = tpu.memref_slice %arg3[%add3A_257] : memref<589824xf32, #tpu.memory_space<hbm>> -> memref<3072xf32, #tpu.memory_space<hbm>>
    %dma_start3A_261 = tpu.memref_slice %arg3[%add3A_257] : memref<589824xf32, #tpu.memory_space<hbm>> -> memref<3072xf32, #tpu.memory_space<hbm>>
    %dma_start3A_262 = arith.constant 6144 : i32
    %dma_start3A_263 = tpu.memref_slice %arg8[%dma_start3A_262] : memref<18496xf32, #tpu.memory_space<vmem>> -> memref<3072xf32, #tpu.memory_space<vmem>>
    tpu.enqueue_dma source(%dma_start3A_263 : memref<3072xf32, #tpu.memory_space<vmem>>) target(%dma_start3A_261 : memref<3072xf32, #tpu.memory_space<hbm>>) target_semaphore(%arg11 : memref<!tpu.dma_semaphore, #tpu.memory_space<semaphore_mem>>)
    %dma_wait3A_264 = arith.constant 9216 : i32
    %dma_wait3A_265 = tpu.memref_slice %arg8[%dma_wait3A_264] : memref<18496xf32, #tpu.memory_space<vmem>> -> memref<3072xf32, #tpu.memory_space<vmem>>
    %dma_wait3A_266 = tpu.memref_slice %arg9[%add3A_180] : memref<295936xf32, #tpu.memory_space<vmem_shared>> -> memref<3072xf32, #tpu.memory_space<vmem_shared>>
    %dma_wait3A_267 = arith.constant 9216 : i32
    %dma_wait3A_268 = tpu.memref_slice %arg8[%dma_wait3A_267] : memref<18496xf32, #tpu.memory_space<vmem>> -> memref<3072xf32, #tpu.memory_space<vmem>>
    %dma_wait3A_269 = tpu.memref_slice %arg9[%add3A_180] : memref<295936xf32, #tpu.memory_space<vmem_shared>> -> memref<3072xf32, #tpu.memory_space<vmem_shared>>
    tpu.wait_dma2 semaphore(%arg10 : memref<!tpu.dma_semaphore, #tpu.memory_space<semaphore_mem>>) src(%dma_wait3A_269 : memref<3072xf32, #tpu.memory_space<vmem_shared>>) dst(%dma_wait3A_268 : memref<3072xf32, #tpu.memory_space<vmem>>)
    %mul3A_270 = arith.constant 49152 : i32
    %mul3A_271 = arith.muli %arg0, %mul3A_270 : i32
    %add3A_272 = arith.constant 294912 : i32
    %add3A_273 = arith.addi %add3A_272, %mul3A_271 : i32
    %mul3A_274 = arith.constant 3072 : i32
    %mul3A_275 = arith.muli %arg1, %mul3A_274 : i32
    %add3A_276 = arith.addi %add3A_273, %mul3A_275 : i32
    %dma_start3A_277 = arith.constant 9216 : i32
    %dma_start3A_278 = tpu.memref_slice %arg8[%dma_start3A_277] : memref<18496xf32, #tpu.memory_space<vmem>> -> memref<3072xf32, #tpu.memory_space<vmem>>
    %dma_start3A_279 = tpu.memref_slice %arg3[%add3A_276] : memref<589824xf32, #tpu.memory_space<hbm>> -> memref<3072xf32, #tpu.memory_space<hbm>>
    %dma_start3A_280 = tpu.memref_slice %arg3[%add3A_276] : memref<589824xf32, #tpu.memory_space<hbm>> -> memref<3072xf32, #tpu.memory_space<hbm>>
    %dma_start3A_281 = arith.constant 9216 : i32
    %dma_start3A_282 = tpu.memref_slice %arg8[%dma_start3A_281] : memref<18496xf32, #tpu.memory_space<vmem>> -> memref<3072xf32, #tpu.memory_space<vmem>>
    tpu.enqueue_dma source(%dma_start3A_282 : memref<3072xf32, #tpu.memory_space<vmem>>) target(%dma_start3A_280 : memref<3072xf32, #tpu.memory_space<hbm>>) target_semaphore(%arg11 : memref<!tpu.dma_semaphore, #tpu.memory_space<semaphore_mem>>)
    %dma_wait3A_283 = arith.constant 12288 : i32
    %dma_wait3A_284 = tpu.memref_slice %arg8[%dma_wait3A_283] : memref<18496xf32, #tpu.memory_space<vmem>> -> memref<3072xf32, #tpu.memory_space<vmem>>
    %dma_wait3A_285 = tpu.memref_slice %arg9[%add3A_190] : memref<295936xf32, #tpu.memory_space<vmem_shared>> -> memref<3072xf32, #tpu.memory_space<vmem_shared>>
    %dma_wait3A_286 = arith.constant 12288 : i32
    %dma_wait3A_287 = tpu.memref_slice %arg8[%dma_wait3A_286] : memref<18496xf32, #tpu.memory_space<vmem>> -> memref<3072xf32, #tpu.memory_space<vmem>>
    %dma_wait3A_288 = tpu.memref_slice %arg9[%add3A_190] : memref<295936xf32, #tpu.memory_space<vmem_shared>> -> memref<3072xf32, #tpu.memory_space<vmem_shared>>
    tpu.wait_dma2 semaphore(%arg10 : memref<!tpu.dma_semaphore, #tpu.memory_space<semaphore_mem>>) src(%dma_wait3A_288 : memref<3072xf32, #tpu.memory_space<vmem_shared>>) dst(%dma_wait3A_287 : memref<3072xf32, #tpu.memory_space<vmem>>)
    %mul3A_289 = arith.constant 49152 : i32
    %mul3A_290 = arith.muli %arg0, %mul3A_289 : i32
    %add3A_291 = arith.constant 393216 : i32
    %add3A_292 = arith.addi %add3A_291, %mul3A_290 : i32
    %mul3A_293 = arith.constant 3072 : i32
    %mul3A_294 = arith.muli %arg1, %mul3A_293 : i32
    %add3A_295 = arith.addi %add3A_292, %mul3A_294 : i32
    %dma_start3A_296 = arith.constant 12288 : i32
    %dma_start3A_297 = tpu.memref_slice %arg8[%dma_start3A_296] : memref<18496xf32, #tpu.memory_space<vmem>> -> memref<3072xf32, #tpu.memory_space<vmem>>
    %dma_start3A_298 = tpu.memref_slice %arg3[%add3A_295] : memref<589824xf32, #tpu.memory_space<hbm>> -> memref<3072xf32, #tpu.memory_space<hbm>>
    %dma_start3A_299 = tpu.memref_slice %arg3[%add3A_295] : memref<589824xf32, #tpu.memory_space<hbm>> -> memref<3072xf32, #tpu.memory_space<hbm>>
    %dma_start3A_300 = arith.constant 12288 : i32
    %dma_start3A_301 = tpu.memref_slice %arg8[%dma_start3A_300] : memref<18496xf32, #tpu.memory_space<vmem>> -> memref<3072xf32, #tpu.memory_space<vmem>>
    tpu.enqueue_dma source(%dma_start3A_301 : memref<3072xf32, #tpu.memory_space<vmem>>) target(%dma_start3A_299 : memref<3072xf32, #tpu.memory_space<hbm>>) target_semaphore(%arg11 : memref<!tpu.dma_semaphore, #tpu.memory_space<semaphore_mem>>)
    %dma_wait3A_302 = arith.constant 15360 : i32
    %dma_wait3A_303 = tpu.memref_slice %arg8[%dma_wait3A_302] : memref<18496xf32, #tpu.memory_space<vmem>> -> memref<3072xf32, #tpu.memory_space<vmem>>
    %dma_wait3A_304 = tpu.memref_slice %arg9[%add3A_200] : memref<295936xf32, #tpu.memory_space<vmem_shared>> -> memref<3072xf32, #tpu.memory_space<vmem_shared>>
    %dma_wait3A_305 = arith.constant 15360 : i32
    %dma_wait3A_306 = tpu.memref_slice %arg8[%dma_wait3A_305] : memref<18496xf32, #tpu.memory_space<vmem>> -> memref<3072xf32, #tpu.memory_space<vmem>>
    %dma_wait3A_307 = tpu.memref_slice %arg9[%add3A_200] : memref<295936xf32, #tpu.memory_space<vmem_shared>> -> memref<3072xf32, #tpu.memory_space<vmem_shared>>
    tpu.wait_dma2 semaphore(%arg10 : memref<!tpu.dma_semaphore, #tpu.memory_space<semaphore_mem>>) src(%dma_wait3A_307 : memref<3072xf32, #tpu.memory_space<vmem_shared>>) dst(%dma_wait3A_306 : memref<3072xf32, #tpu.memory_space<vmem>>)
    %mul3A_308 = arith.constant 49152 : i32
    %mul3A_309 = arith.muli %arg0, %mul3A_308 : i32
    %add3A_310 = arith.constant 491520 : i32
    %add3A_311 = arith.addi %add3A_310, %mul3A_309 : i32
    %mul3A_312 = arith.constant 3072 : i32
    %mul3A_313 = arith.muli %arg1, %mul3A_312 : i32
    %add3A_314 = arith.addi %add3A_311, %mul3A_313 : i32
    %dma_start3A_315 = arith.constant 15360 : i32
    %dma_start3A_316 = tpu.memref_slice %arg8[%dma_start3A_315] : memref<18496xf32, #tpu.memory_space<vmem>> -> memref<3072xf32, #tpu.memory_space<vmem>>
    %dma_start3A_317 = tpu.memref_slice %arg3[%add3A_314] : memref<589824xf32, #tpu.memory_space<hbm>> -> memref<3072xf32, #tpu.memory_space<hbm>>
    %dma_start3A_318 = tpu.memref_slice %arg3[%add3A_314] : memref<589824xf32, #tpu.memory_space<hbm>> -> memref<3072xf32, #tpu.memory_space<hbm>>
    %dma_start3A_319 = arith.constant 15360 : i32
    %dma_start3A_320 = tpu.memref_slice %arg8[%dma_start3A_319] : memref<18496xf32, #tpu.memory_space<vmem>> -> memref<3072xf32, #tpu.memory_space<vmem>>
    tpu.enqueue_dma source(%dma_start3A_320 : memref<3072xf32, #tpu.memory_space<vmem>>) target(%dma_start3A_318 : memref<3072xf32, #tpu.memory_space<hbm>>) target_semaphore(%arg11 : memref<!tpu.dma_semaphore, #tpu.memory_space<semaphore_mem>>)
    %dma_wait3A_321 = arith.constant 0 : i32
    %dma_wait3A_322 = tpu.memref_slice %arg8[%dma_wait3A_321] : memref<18496xf32, #tpu.memory_space<vmem>> -> memref<18432xf32, #tpu.memory_space<vmem>>
    %dma_wait3A_323 = arith.constant 0 : i32
    %dma_wait3A_324 = tpu.memref_slice %arg3[%dma_wait3A_323] : memref<589824xf32, #tpu.memory_space<hbm>> -> memref<18432xf32, #tpu.memory_space<hbm>>
    %dma_wait3A_325 = arith.constant 0 : i32
    %dma_wait3A_326 = tpu.memref_slice %arg8[%dma_wait3A_325] : memref<18496xf32, #tpu.memory_space<vmem>> -> memref<18432xf32, #tpu.memory_space<vmem>>
    %dma_wait3A_327 = arith.constant 0 : i32
    %dma_wait3A_328 = tpu.memref_slice %arg3[%dma_wait3A_327] : memref<589824xf32, #tpu.memory_space<hbm>> -> memref<18432xf32, #tpu.memory_space<hbm>>
    tpu.wait_dma2 semaphore(%arg11 : memref<!tpu.dma_semaphore, #tpu.memory_space<semaphore_mem>>) src(%dma_wait3A_328 : memref<18432xf32, #tpu.memory_space<hbm>>) dst(%dma_wait3A_326 : memref<18432xf32, #tpu.memory_space<vmem>>)
    return
  }
}

module attributes {stable_mosaic.version = 14 : i64} {
  func.func @_dense_body(%arg0: memref<6x768x128xf32, #tpu.memory_space<vmem>>, %arg1: memref<768x256xf32, #tpu.memory_space<vmem>>, %arg2: memref<256x256xf32, #tpu.memory_space<vmem>>, %arg3: memref<1x256xf32, #tpu.memory_space<vmem>>, %arg4: memref<256x1xf32, #tpu.memory_space<vmem>>, %arg5: memref<256x1xf32, #tpu.memory_space<vmem>>, %arg6: memref<1x256xf32, #tpu.memory_space<vmem>>, %arg7: memref<256x64xf32, #tpu.memory_space<vmem>>, %arg8: memref<1x64xf32, #tpu.memory_space<vmem>>, %arg9: memref<64x1xf32, #tpu.memory_space<vmem>>, %arg10: memref<64x1xf32, #tpu.memory_space<vmem>>, %arg11: memref<1x64xf32, #tpu.memory_space<vmem>>, %arg12: memref<650x64xf32, #tpu.memory_space<vmem>>, %arg13: memref<1x1xf32, #tpu.memory_space<vmem>>, %arg14: memref<1x64xf32, #tpu.memory_space<vmem>>) attributes {dimension_semantics = [], scalar_prefetch = 0 : i64, scratch_operands = 0 : i64, tpu.core_type = #tpu.core_type<tc>} {
    %get3A = arith.constant 0 : index
    %get3A_0 = arith.constant 0 : index
    %get3A_1 = arith.constant 0 : index
    %get3A_2 = vector.load %arg0[%get3A, %get3A_0, %get3A_1] : memref<6x768x128xf32, #tpu.memory_space<vmem>>, vector<1x768x128xf32>
    %get3A_3 = vector.shape_cast %get3A_2 : vector<1x768x128xf32> to vector<768x128xf32>
    %get3A_4 = arith.constant 1 : index
    %get3A_5 = arith.constant 0 : index
    %get3A_6 = arith.constant 0 : index
    %get3A_7 = vector.load %arg0[%get3A_4, %get3A_5, %get3A_6] : memref<6x768x128xf32, #tpu.memory_space<vmem>>, vector<1x768x128xf32>
    %get3A_8 = vector.shape_cast %get3A_7 : vector<1x768x128xf32> to vector<768x128xf32>
    %get3A_9 = arith.constant 2 : index
    %get3A_10 = arith.constant 0 : index
    %get3A_11 = arith.constant 0 : index
    %get3A_12 = vector.load %arg0[%get3A_9, %get3A_10, %get3A_11] : memref<6x768x128xf32, #tpu.memory_space<vmem>>, vector<1x768x128xf32>
    %get3A_13 = vector.shape_cast %get3A_12 : vector<1x768x128xf32> to vector<768x128xf32>
    %get3A_14 = arith.constant 3 : index
    %get3A_15 = arith.constant 0 : index
    %get3A_16 = arith.constant 0 : index
    %get3A_17 = vector.load %arg0[%get3A_14, %get3A_15, %get3A_16] : memref<6x768x128xf32, #tpu.memory_space<vmem>>, vector<1x768x128xf32>
    %get3A_18 = vector.shape_cast %get3A_17 : vector<1x768x128xf32> to vector<768x128xf32>
    %get3A_19 = arith.constant 4 : index
    %get3A_20 = arith.constant 0 : index
    %get3A_21 = arith.constant 0 : index
    %get3A_22 = vector.load %arg0[%get3A_19, %get3A_20, %get3A_21] : memref<6x768x128xf32, #tpu.memory_space<vmem>>, vector<1x768x128xf32>
    %get3A_23 = vector.shape_cast %get3A_22 : vector<1x768x128xf32> to vector<768x128xf32>
    %get3A_24 = arith.constant 5 : index
    %get3A_25 = arith.constant 0 : index
    %get3A_26 = arith.constant 0 : index
    %get3A_27 = vector.load %arg0[%get3A_24, %get3A_25, %get3A_26] : memref<6x768x128xf32, #tpu.memory_space<vmem>>, vector<1x768x128xf32>
    %get3A_28 = vector.shape_cast %get3A_27 : vector<1x768x128xf32> to vector<768x128xf32>
    %gt3A = arith.constant 0.000000e+00 : f32
    %gt3A_29 = vector.broadcast %gt3A : f32 to vector<768x128xf32>
    %gt3A_30 = arith.cmpf ogt, %get3A_3, %gt3A_29 : vector<768x128xf32>
    %jit3A = arith.constant 0.000000e+00 : f32
    %jit3A_31 = arith.constant -1.000000e+30 : f32
    %broadcast_in_dim3A = vector.broadcast %jit3A : f32 to vector<768x128xf32>
    %broadcast_in_dim3A_32 = vector.broadcast %jit3A_31 : f32 to vector<768x128xf32>
    %select_n3A = arith.select %gt3A_30, %broadcast_in_dim3A, %broadcast_in_dim3A_32 : vector<768x128xi1>, vector<768x128xf32>
    %gt3A_33 = arith.constant 0.000000e+00 : f32
    %gt3A_34 = vector.broadcast %gt3A_33 : f32 to vector<768x128xf32>
    %gt3A_35 = arith.cmpf ogt, %get3A_8, %gt3A_34 : vector<768x128xf32>
    %jit3A_36 = arith.constant 0.000000e+00 : f32
    %jit3A_37 = arith.constant -1.000000e+30 : f32
    %broadcast_in_dim3A_38 = vector.broadcast %jit3A_36 : f32 to vector<768x128xf32>
    %broadcast_in_dim3A_39 = vector.broadcast %jit3A_37 : f32 to vector<768x128xf32>
    %select_n3A_40 = arith.select %gt3A_35, %broadcast_in_dim3A_38, %broadcast_in_dim3A_39 : vector<768x128xi1>, vector<768x128xf32>
    %gt3A_41 = arith.constant 0.000000e+00 : f32
    %gt3A_42 = vector.broadcast %gt3A_41 : f32 to vector<768x128xf32>
    %gt3A_43 = arith.cmpf ogt, %get3A_13, %gt3A_42 : vector<768x128xf32>
    %jit3A_44 = arith.constant 0.000000e+00 : f32
    %jit3A_45 = arith.constant -1.000000e+30 : f32
    %broadcast_in_dim3A_46 = vector.broadcast %jit3A_44 : f32 to vector<768x128xf32>
    %broadcast_in_dim3A_47 = vector.broadcast %jit3A_45 : f32 to vector<768x128xf32>
    %select_n3A_48 = arith.select %gt3A_43, %broadcast_in_dim3A_46, %broadcast_in_dim3A_47 : vector<768x128xi1>, vector<768x128xf32>
    %gt3A_49 = arith.constant 0.000000e+00 : f32
    %gt3A_50 = vector.broadcast %gt3A_49 : f32 to vector<768x128xf32>
    %gt3A_51 = arith.cmpf ogt, %get3A_18, %gt3A_50 : vector<768x128xf32>
    %jit3A_52 = arith.constant 0.000000e+00 : f32
    %jit3A_53 = arith.constant -1.000000e+30 : f32
    %broadcast_in_dim3A_54 = vector.broadcast %jit3A_52 : f32 to vector<768x128xf32>
    %broadcast_in_dim3A_55 = vector.broadcast %jit3A_53 : f32 to vector<768x128xf32>
    %select_n3A_56 = arith.select %gt3A_51, %broadcast_in_dim3A_54, %broadcast_in_dim3A_55 : vector<768x128xi1>, vector<768x128xf32>
    %gt3A_57 = arith.constant 0.000000e+00 : f32
    %gt3A_58 = vector.broadcast %gt3A_57 : f32 to vector<768x128xf32>
    %gt3A_59 = arith.cmpf ogt, %get3A_23, %gt3A_58 : vector<768x128xf32>
    %jit3A_60 = arith.constant 0.000000e+00 : f32
    %jit3A_61 = arith.constant -1.000000e+30 : f32
    %broadcast_in_dim3A_62 = vector.broadcast %jit3A_60 : f32 to vector<768x128xf32>
    %broadcast_in_dim3A_63 = vector.broadcast %jit3A_61 : f32 to vector<768x128xf32>
    %select_n3A_64 = arith.select %gt3A_59, %broadcast_in_dim3A_62, %broadcast_in_dim3A_63 : vector<768x128xi1>, vector<768x128xf32>
    %gt3A_65 = arith.constant 0.000000e+00 : f32
    %gt3A_66 = vector.broadcast %gt3A_65 : f32 to vector<768x128xf32>
    %gt3A_67 = arith.cmpf ogt, %get3A_28, %gt3A_66 : vector<768x128xf32>
    %jit3A_68 = arith.constant 0.000000e+00 : f32
    %jit3A_69 = arith.constant -1.000000e+30 : f32
    %broadcast_in_dim3A_70 = vector.broadcast %jit3A_68 : f32 to vector<768x128xf32>
    %broadcast_in_dim3A_71 = vector.broadcast %jit3A_69 : f32 to vector<768x128xf32>
    %select_n3A_72 = arith.select %gt3A_67, %broadcast_in_dim3A_70, %broadcast_in_dim3A_71 : vector<768x128xi1>, vector<768x128xf32>
    %get3A_73 = arith.constant 0 : index
    %get3A_74 = arith.constant 0 : index
    %get3A_75 = vector.load %arg1[%get3A_73, %get3A_74] : memref<768x256xf32, #tpu.memory_space<vmem>>, vector<768x256xf32>
    %get3A_76 = arith.constant 0 : index
    %get3A_77 = arith.constant 0 : index
    %get3A_78 = vector.load %arg2[%get3A_76, %get3A_77] : memref<256x256xf32, #tpu.memory_space<vmem>>, vector<256x256xf32>
    %dot_general3A = arith.constant dense<0.000000e+00> : vector<768x256xf32>
    %dot_general3A_79 = tpu.matmul %get3A_75, %get3A_78, %dot_general3A {dimension_numbers = #tpu.dot_dimension_numbers<[1], [0], [0], [1], [0, 0, 1, 1], [], []>, transpose_lhs_hint = false} : vector<768x256xf32>, vector<256x256xf32>, vector<768x256xf32> -> vector<768x256xf32>
    %get3A_80 = arith.constant 0 : index
    %get3A_81 = arith.constant 0 : index
    %get3A_82 = vector.load %arg3[%get3A_80, %get3A_81] : memref<1x256xf32, #tpu.memory_space<vmem>>, vector<1x256xf32>
    %get3A_83 = arith.constant 0 : index
    %get3A_84 = arith.constant 0 : index
    %get3A_85 = vector.load %arg4[%get3A_83, %get3A_84] : memref<256x1xf32, #tpu.memory_space<vmem>>, vector<256x1xf32>
    %get3A_86 = arith.constant 0 : index
    %get3A_87 = arith.constant 0 : index
    %get3A_88 = vector.load %arg5[%get3A_86, %get3A_87] : memref<256x1xf32, #tpu.memory_space<vmem>>, vector<256x1xf32>
    %get3A_89 = arith.constant 0 : index
    %get3A_90 = arith.constant 0 : index
    %get3A_91 = vector.load %arg6[%get3A_89, %get3A_90] : memref<1x256xf32, #tpu.memory_space<vmem>>, vector<1x256xf32>
    %dot_general3A_92 = arith.constant dense<0.000000e+00> : vector<1x768xf32>
    %dot_general3A_93 = tpu.matmul %get3A_82, %dot_general3A_79, %dot_general3A_92 {dimension_numbers = #tpu.dot_dimension_numbers<[1], [1], [0], [0], [0, 0, 1, 0], [], []>, transpose_lhs_hint = false} : vector<1x256xf32>, vector<768x256xf32>, vector<1x768xf32> -> vector<1x768xf32>
    %dot_general3A_94 = arith.constant dense<0.000000e+00> : vector<768x1xf32>
    %dot_general3A_95 = tpu.matmul %dot_general3A_79, %get3A_88, %dot_general3A_94 {dimension_numbers = #tpu.dot_dimension_numbers<[1], [0], [0], [1], [0, 0, 1, 1], [], []>, transpose_lhs_hint = false} : vector<768x256xf32>, vector<256x1xf32>, vector<768x1xf32> -> vector<768x1xf32>
    %dot_general3A_96 = arith.constant dense<0.000000e+00> : vector<768x1xf32>
    %dot_general3A_97 = tpu.matmul %dot_general3A_79, %get3A_85, %dot_general3A_96 {dimension_numbers = #tpu.dot_dimension_numbers<[1], [0], [0], [1], [0, 0, 1, 1], [], []>, transpose_lhs_hint = false} : vector<768x256xf32>, vector<256x1xf32>, vector<768x1xf32> -> vector<768x1xf32>
    %add3A = arith.addf %dot_general3A_95, %dot_general3A_97 : vector<768x1xf32>
    %mul3A = arith.constant 2.000000e-01 : f32
    %mul3A_98 = vector.broadcast %mul3A : f32 to vector<768x1xf32>
    %mul3A_99 = arith.mulf %mul3A_98, %add3A : vector<768x1xf32>
    %max3A = arith.maximumf %add3A, %mul3A_99 : vector<768x1xf32>
    %slice3A = vector.extract_strided_slice %dot_general3A_93 {offsets = [0, 0], sizes = [1, 128], strides = [1, 1]} : vector<1x768xf32> to vector<1x128xf32>
    %add3A_100 = vector.broadcast %dot_general3A_95 : vector<768x1xf32> to vector<768x128xf32>
    %add3A_101 = vector.broadcast %slice3A : vector<1x128xf32> to vector<768x128xf32>
    %add3A_102 = arith.addf %add3A_100, %add3A_101 : vector<768x128xf32>
    %mul3A_103 = arith.constant 2.000000e-01 : f32
    %mul3A_104 = vector.broadcast %mul3A_103 : f32 to vector<768x128xf32>
    %mul3A_105 = arith.mulf %mul3A_104, %add3A_102 : vector<768x128xf32>
    %max3A_106 = arith.maximumf %add3A_102, %mul3A_105 : vector<768x128xf32>
    %add3A_107 = arith.addf %max3A_106, %select_n3A : vector<768x128xf32>
    %reduce_max3A = arith.constant dense<0xFF800000> : vector<768xf32>
    %reduce_max3A_108 = vector.multi_reduction <maximumf>, %add3A_107, %reduce_max3A [1] : vector<768x128xf32> to vector<768xf32>
    %broadcast_in_dim3A_109 = vector.shape_cast %reduce_max3A_108 : vector<768xf32> to vector<768x1xf32>
    %slice3A_110 = vector.extract_strided_slice %dot_general3A_93 {offsets = [0, 128], sizes = [1, 128], strides = [1, 1]} : vector<1x768xf32> to vector<1x128xf32>
    %add3A_111 = vector.broadcast %dot_general3A_95 : vector<768x1xf32> to vector<768x128xf32>
    %add3A_112 = vector.broadcast %slice3A_110 : vector<1x128xf32> to vector<768x128xf32>
    %add3A_113 = arith.addf %add3A_111, %add3A_112 : vector<768x128xf32>
    %mul3A_114 = arith.constant 2.000000e-01 : f32
    %mul3A_115 = vector.broadcast %mul3A_114 : f32 to vector<768x128xf32>
    %mul3A_116 = arith.mulf %mul3A_115, %add3A_113 : vector<768x128xf32>
    %max3A_117 = arith.maximumf %add3A_113, %mul3A_116 : vector<768x128xf32>
    %add3A_118 = arith.addf %max3A_117, %select_n3A_40 : vector<768x128xf32>
    %reduce_max3A_119 = arith.constant dense<0xFF800000> : vector<768xf32>
    %reduce_max3A_120 = vector.multi_reduction <maximumf>, %add3A_118, %reduce_max3A_119 [1] : vector<768x128xf32> to vector<768xf32>
    %broadcast_in_dim3A_121 = vector.shape_cast %reduce_max3A_120 : vector<768xf32> to vector<768x1xf32>
    %slice3A_122 = vector.extract_strided_slice %dot_general3A_93 {offsets = [0, 256], sizes = [1, 128], strides = [1, 1]} : vector<1x768xf32> to vector<1x128xf32>
    %add3A_123 = vector.broadcast %dot_general3A_95 : vector<768x1xf32> to vector<768x128xf32>
    %add3A_124 = vector.broadcast %slice3A_122 : vector<1x128xf32> to vector<768x128xf32>
    %add3A_125 = arith.addf %add3A_123, %add3A_124 : vector<768x128xf32>
    %mul3A_126 = arith.constant 2.000000e-01 : f32
    %mul3A_127 = vector.broadcast %mul3A_126 : f32 to vector<768x128xf32>
    %mul3A_128 = arith.mulf %mul3A_127, %add3A_125 : vector<768x128xf32>
    %max3A_129 = arith.maximumf %add3A_125, %mul3A_128 : vector<768x128xf32>
    %add3A_130 = arith.addf %max3A_129, %select_n3A_48 : vector<768x128xf32>
    %reduce_max3A_131 = arith.constant dense<0xFF800000> : vector<768xf32>
    %reduce_max3A_132 = vector.multi_reduction <maximumf>, %add3A_130, %reduce_max3A_131 [1] : vector<768x128xf32> to vector<768xf32>
    %broadcast_in_dim3A_133 = vector.shape_cast %reduce_max3A_132 : vector<768xf32> to vector<768x1xf32>
    %slice3A_134 = vector.extract_strided_slice %dot_general3A_93 {offsets = [0, 384], sizes = [1, 128], strides = [1, 1]} : vector<1x768xf32> to vector<1x128xf32>
    %add3A_135 = vector.broadcast %dot_general3A_95 : vector<768x1xf32> to vector<768x128xf32>
    %add3A_136 = vector.broadcast %slice3A_134 : vector<1x128xf32> to vector<768x128xf32>
    %add3A_137 = arith.addf %add3A_135, %add3A_136 : vector<768x128xf32>
    %mul3A_138 = arith.constant 2.000000e-01 : f32
    %mul3A_139 = vector.broadcast %mul3A_138 : f32 to vector<768x128xf32>
    %mul3A_140 = arith.mulf %mul3A_139, %add3A_137 : vector<768x128xf32>
    %max3A_141 = arith.maximumf %add3A_137, %mul3A_140 : vector<768x128xf32>
    %add3A_142 = arith.addf %max3A_141, %select_n3A_56 : vector<768x128xf32>
    %reduce_max3A_143 = arith.constant dense<0xFF800000> : vector<768xf32>
    %reduce_max3A_144 = vector.multi_reduction <maximumf>, %add3A_142, %reduce_max3A_143 [1] : vector<768x128xf32> to vector<768xf32>
    %broadcast_in_dim3A_145 = vector.shape_cast %reduce_max3A_144 : vector<768xf32> to vector<768x1xf32>
    %slice3A_146 = vector.extract_strided_slice %dot_general3A_93 {offsets = [0, 512], sizes = [1, 128], strides = [1, 1]} : vector<1x768xf32> to vector<1x128xf32>
    %add3A_147 = vector.broadcast %dot_general3A_95 : vector<768x1xf32> to vector<768x128xf32>
    %add3A_148 = vector.broadcast %slice3A_146 : vector<1x128xf32> to vector<768x128xf32>
    %add3A_149 = arith.addf %add3A_147, %add3A_148 : vector<768x128xf32>
    %mul3A_150 = arith.constant 2.000000e-01 : f32
    %mul3A_151 = vector.broadcast %mul3A_150 : f32 to vector<768x128xf32>
    %mul3A_152 = arith.mulf %mul3A_151, %add3A_149 : vector<768x128xf32>
    %max3A_153 = arith.maximumf %add3A_149, %mul3A_152 : vector<768x128xf32>
    %add3A_154 = arith.addf %max3A_153, %select_n3A_64 : vector<768x128xf32>
    %reduce_max3A_155 = arith.constant dense<0xFF800000> : vector<768xf32>
    %reduce_max3A_156 = vector.multi_reduction <maximumf>, %add3A_154, %reduce_max3A_155 [1] : vector<768x128xf32> to vector<768xf32>
    %broadcast_in_dim3A_157 = vector.shape_cast %reduce_max3A_156 : vector<768xf32> to vector<768x1xf32>
    %slice3A_158 = vector.extract_strided_slice %dot_general3A_93 {offsets = [0, 640], sizes = [1, 128], strides = [1, 1]} : vector<1x768xf32> to vector<1x128xf32>
    %add3A_159 = vector.broadcast %dot_general3A_95 : vector<768x1xf32> to vector<768x128xf32>
    %add3A_160 = vector.broadcast %slice3A_158 : vector<1x128xf32> to vector<768x128xf32>
    %add3A_161 = arith.addf %add3A_159, %add3A_160 : vector<768x128xf32>
    %mul3A_162 = arith.constant 2.000000e-01 : f32
    %mul3A_163 = vector.broadcast %mul3A_162 : f32 to vector<768x128xf32>
    %mul3A_164 = arith.mulf %mul3A_163, %add3A_161 : vector<768x128xf32>
    %max3A_165 = arith.maximumf %add3A_161, %mul3A_164 : vector<768x128xf32>
    %add3A_166 = arith.addf %max3A_165, %select_n3A_72 : vector<768x128xf32>
    %reduce_max3A_167 = arith.constant dense<0xFF800000> : vector<768xf32>
    %reduce_max3A_168 = vector.multi_reduction <maximumf>, %add3A_166, %reduce_max3A_167 [1] : vector<768x128xf32> to vector<768xf32>
    %broadcast_in_dim3A_169 = vector.shape_cast %reduce_max3A_168 : vector<768xf32> to vector<768x1xf32>
    %max3A_170 = arith.maximumf %max3A, %broadcast_in_dim3A_109 : vector<768x1xf32>
    %max3A_171 = arith.maximumf %max3A_170, %broadcast_in_dim3A_121 : vector<768x1xf32>
    %max3A_172 = arith.maximumf %max3A_171, %broadcast_in_dim3A_133 : vector<768x1xf32>
    %max3A_173 = arith.maximumf %max3A_172, %broadcast_in_dim3A_145 : vector<768x1xf32>
    %max3A_174 = arith.maximumf %max3A_173, %broadcast_in_dim3A_157 : vector<768x1xf32>
    %max3A_175 = arith.maximumf %max3A_174, %broadcast_in_dim3A_169 : vector<768x1xf32>
    %sub3A = vector.broadcast %max3A_175 : vector<768x1xf32> to vector<768x128xf32>
    %sub3A_176 = arith.subf %max3A_106, %sub3A : vector<768x128xf32>
    %min3A = arith.constant 0.000000e+00 : f32
    %min3A_177 = vector.broadcast %min3A : f32 to vector<768x128xf32>
    %min3A_178 = arith.minimumf %sub3A_176, %min3A_177 : vector<768x128xf32>
    %exp3A = math.exp %min3A_178 : vector<768x128xf32>
    %mul3A_179 = arith.mulf %get3A_3, %exp3A : vector<768x128xf32>
    %sub3A_180 = vector.broadcast %max3A_175 : vector<768x1xf32> to vector<768x128xf32>
    %sub3A_181 = arith.subf %max3A_117, %sub3A_180 : vector<768x128xf32>
    %min3A_182 = arith.constant 0.000000e+00 : f32
    %min3A_183 = vector.broadcast %min3A_182 : f32 to vector<768x128xf32>
    %min3A_184 = arith.minimumf %sub3A_181, %min3A_183 : vector<768x128xf32>
    %exp3A_185 = math.exp %min3A_184 : vector<768x128xf32>
    %mul3A_186 = arith.mulf %get3A_8, %exp3A_185 : vector<768x128xf32>
    %sub3A_187 = vector.broadcast %max3A_175 : vector<768x1xf32> to vector<768x128xf32>
    %sub3A_188 = arith.subf %max3A_129, %sub3A_187 : vector<768x128xf32>
    %min3A_189 = arith.constant 0.000000e+00 : f32
    %min3A_190 = vector.broadcast %min3A_189 : f32 to vector<768x128xf32>
    %min3A_191 = arith.minimumf %sub3A_188, %min3A_190 : vector<768x128xf32>
    %exp3A_192 = math.exp %min3A_191 : vector<768x128xf32>
    %mul3A_193 = arith.mulf %get3A_13, %exp3A_192 : vector<768x128xf32>
    %sub3A_194 = vector.broadcast %max3A_175 : vector<768x1xf32> to vector<768x128xf32>
    %sub3A_195 = arith.subf %max3A_141, %sub3A_194 : vector<768x128xf32>
    %min3A_196 = arith.constant 0.000000e+00 : f32
    %min3A_197 = vector.broadcast %min3A_196 : f32 to vector<768x128xf32>
    %min3A_198 = arith.minimumf %sub3A_195, %min3A_197 : vector<768x128xf32>
    %exp3A_199 = math.exp %min3A_198 : vector<768x128xf32>
    %mul3A_200 = arith.mulf %get3A_18, %exp3A_199 : vector<768x128xf32>
    %sub3A_201 = vector.broadcast %max3A_175 : vector<768x1xf32> to vector<768x128xf32>
    %sub3A_202 = arith.subf %max3A_153, %sub3A_201 : vector<768x128xf32>
    %min3A_203 = arith.constant 0.000000e+00 : f32
    %min3A_204 = vector.broadcast %min3A_203 : f32 to vector<768x128xf32>
    %min3A_205 = arith.minimumf %sub3A_202, %min3A_204 : vector<768x128xf32>
    %exp3A_206 = math.exp %min3A_205 : vector<768x128xf32>
    %mul3A_207 = arith.mulf %get3A_23, %exp3A_206 : vector<768x128xf32>
    %sub3A_208 = vector.broadcast %max3A_175 : vector<768x1xf32> to vector<768x128xf32>
    %sub3A_209 = arith.subf %max3A_165, %sub3A_208 : vector<768x128xf32>
    %min3A_210 = arith.constant 0.000000e+00 : f32
    %min3A_211 = vector.broadcast %min3A_210 : f32 to vector<768x128xf32>
    %min3A_212 = arith.minimumf %sub3A_209, %min3A_211 : vector<768x128xf32>
    %exp3A_213 = math.exp %min3A_212 : vector<768x128xf32>
    %mul3A_214 = arith.mulf %get3A_28, %exp3A_213 : vector<768x128xf32>
    %sub3A_215 = arith.subf %max3A, %max3A_175 : vector<768x1xf32>
    %exp3A_216 = math.exp %sub3A_215 : vector<768x1xf32>
    %reduce_sum3A = arith.constant dense<0.000000e+00> : vector<768xf32>
    %reduce_sum3A_217 = vector.multi_reduction <add>, %mul3A_179, %reduce_sum3A [1] : vector<768x128xf32> to vector<768xf32>
    %broadcast_in_dim3A_218 = vector.shape_cast %reduce_sum3A_217 : vector<768xf32> to vector<768x1xf32>
    %add3A_219 = arith.addf %exp3A_216, %broadcast_in_dim3A_218 : vector<768x1xf32>
    %reduce_sum3A_220 = arith.constant dense<0.000000e+00> : vector<768xf32>
    %reduce_sum3A_221 = vector.multi_reduction <add>, %mul3A_186, %reduce_sum3A_220 [1] : vector<768x128xf32> to vector<768xf32>
    %broadcast_in_dim3A_222 = vector.shape_cast %reduce_sum3A_221 : vector<768xf32> to vector<768x1xf32>
    %add3A_223 = arith.addf %add3A_219, %broadcast_in_dim3A_222 : vector<768x1xf32>
    %reduce_sum3A_224 = arith.constant dense<0.000000e+00> : vector<768xf32>
    %reduce_sum3A_225 = vector.multi_reduction <add>, %mul3A_193, %reduce_sum3A_224 [1] : vector<768x128xf32> to vector<768xf32>
    %broadcast_in_dim3A_226 = vector.shape_cast %reduce_sum3A_225 : vector<768xf32> to vector<768x1xf32>
    %add3A_227 = arith.addf %add3A_223, %broadcast_in_dim3A_226 : vector<768x1xf32>
    %reduce_sum3A_228 = arith.constant dense<0.000000e+00> : vector<768xf32>
    %reduce_sum3A_229 = vector.multi_reduction <add>, %mul3A_200, %reduce_sum3A_228 [1] : vector<768x128xf32> to vector<768xf32>
    %broadcast_in_dim3A_230 = vector.shape_cast %reduce_sum3A_229 : vector<768xf32> to vector<768x1xf32>
    %add3A_231 = arith.addf %add3A_227, %broadcast_in_dim3A_230 : vector<768x1xf32>
    %reduce_sum3A_232 = arith.constant dense<0.000000e+00> : vector<768xf32>
    %reduce_sum3A_233 = vector.multi_reduction <add>, %mul3A_207, %reduce_sum3A_232 [1] : vector<768x128xf32> to vector<768xf32>
    %broadcast_in_dim3A_234 = vector.shape_cast %reduce_sum3A_233 : vector<768xf32> to vector<768x1xf32>
    %add3A_235 = arith.addf %add3A_231, %broadcast_in_dim3A_234 : vector<768x1xf32>
    %reduce_sum3A_236 = arith.constant dense<0.000000e+00> : vector<768xf32>
    %reduce_sum3A_237 = vector.multi_reduction <add>, %mul3A_214, %reduce_sum3A_236 [1] : vector<768x128xf32> to vector<768xf32>
    %broadcast_in_dim3A_238 = vector.shape_cast %reduce_sum3A_237 : vector<768xf32> to vector<768x1xf32>
    %add3A_239 = arith.addf %add3A_235, %broadcast_in_dim3A_238 : vector<768x1xf32>
    %mul3A_240 = vector.broadcast %exp3A_216 : vector<768x1xf32> to vector<768x256xf32>
    %mul3A_241 = arith.mulf %mul3A_240, %dot_general3A_79 : vector<768x256xf32>
    %slice3A_242 = vector.extract_strided_slice %dot_general3A_79 {offsets = [0, 0], sizes = [128, 256], strides = [1, 1]} : vector<768x256xf32> to vector<128x256xf32>
    %dot_general3A_243 = arith.constant dense<0.000000e+00> : vector<768x256xf32>
    %dot_general3A_244 = tpu.matmul %mul3A_179, %slice3A_242, %dot_general3A_243 {dimension_numbers = #tpu.dot_dimension_numbers<[1], [0], [0], [1], [0, 0, 1, 1], [], []>, transpose_lhs_hint = false} : vector<768x128xf32>, vector<128x256xf32>, vector<768x256xf32> -> vector<768x256xf32>
    %add3A_245 = arith.addf %mul3A_241, %dot_general3A_244 : vector<768x256xf32>
    %slice3A_246 = vector.extract_strided_slice %dot_general3A_79 {offsets = [128, 0], sizes = [128, 256], strides = [1, 1]} : vector<768x256xf32> to vector<128x256xf32>
    %dot_general3A_247 = arith.constant dense<0.000000e+00> : vector<768x256xf32>
    %dot_general3A_248 = tpu.matmul %mul3A_186, %slice3A_246, %dot_general3A_247 {dimension_numbers = #tpu.dot_dimension_numbers<[1], [0], [0], [1], [0, 0, 1, 1], [], []>, transpose_lhs_hint = false} : vector<768x128xf32>, vector<128x256xf32>, vector<768x256xf32> -> vector<768x256xf32>
    %add3A_249 = arith.addf %add3A_245, %dot_general3A_248 : vector<768x256xf32>
    %slice3A_250 = vector.extract_strided_slice %dot_general3A_79 {offsets = [256, 0], sizes = [128, 256], strides = [1, 1]} : vector<768x256xf32> to vector<128x256xf32>
    %dot_general3A_251 = arith.constant dense<0.000000e+00> : vector<768x256xf32>
    %dot_general3A_252 = tpu.matmul %mul3A_193, %slice3A_250, %dot_general3A_251 {dimension_numbers = #tpu.dot_dimension_numbers<[1], [0], [0], [1], [0, 0, 1, 1], [], []>, transpose_lhs_hint = false} : vector<768x128xf32>, vector<128x256xf32>, vector<768x256xf32> -> vector<768x256xf32>
    %add3A_253 = arith.addf %add3A_249, %dot_general3A_252 : vector<768x256xf32>
    %slice3A_254 = vector.extract_strided_slice %dot_general3A_79 {offsets = [384, 0], sizes = [128, 256], strides = [1, 1]} : vector<768x256xf32> to vector<128x256xf32>
    %dot_general3A_255 = arith.constant dense<0.000000e+00> : vector<768x256xf32>
    %dot_general3A_256 = tpu.matmul %mul3A_200, %slice3A_254, %dot_general3A_255 {dimension_numbers = #tpu.dot_dimension_numbers<[1], [0], [0], [1], [0, 0, 1, 1], [], []>, transpose_lhs_hint = false} : vector<768x128xf32>, vector<128x256xf32>, vector<768x256xf32> -> vector<768x256xf32>
    %add3A_257 = arith.addf %add3A_253, %dot_general3A_256 : vector<768x256xf32>
    %slice3A_258 = vector.extract_strided_slice %dot_general3A_79 {offsets = [512, 0], sizes = [128, 256], strides = [1, 1]} : vector<768x256xf32> to vector<128x256xf32>
    %dot_general3A_259 = arith.constant dense<0.000000e+00> : vector<768x256xf32>
    %dot_general3A_260 = tpu.matmul %mul3A_207, %slice3A_258, %dot_general3A_259 {dimension_numbers = #tpu.dot_dimension_numbers<[1], [0], [0], [1], [0, 0, 1, 1], [], []>, transpose_lhs_hint = false} : vector<768x128xf32>, vector<128x256xf32>, vector<768x256xf32> -> vector<768x256xf32>
    %add3A_261 = arith.addf %add3A_257, %dot_general3A_260 : vector<768x256xf32>
    %slice3A_262 = vector.extract_strided_slice %dot_general3A_79 {offsets = [640, 0], sizes = [128, 256], strides = [1, 1]} : vector<768x256xf32> to vector<128x256xf32>
    %dot_general3A_263 = arith.constant dense<0.000000e+00> : vector<768x256xf32>
    %dot_general3A_264 = tpu.matmul %mul3A_214, %slice3A_262, %dot_general3A_263 {dimension_numbers = #tpu.dot_dimension_numbers<[1], [0], [0], [1], [0, 0, 1, 1], [], []>, transpose_lhs_hint = false} : vector<768x128xf32>, vector<128x256xf32>, vector<768x256xf32> -> vector<768x256xf32>
    %add3A_265 = arith.addf %add3A_261, %dot_general3A_264 : vector<768x256xf32>
    %div3A = arith.constant 1.000000e+00 : f32
    %div3A_266 = vector.broadcast %div3A : f32 to vector<768x1xf32>
    %div3A_267 = arith.divf %div3A_266, %add3A_239 : vector<768x1xf32>
    %mul3A_268 = vector.broadcast %div3A_267 : vector<768x1xf32> to vector<768x256xf32>
    %mul3A_269 = arith.mulf %add3A_265, %mul3A_268 : vector<768x256xf32>
    %add3A_270 = vector.broadcast %get3A_91 : vector<1x256xf32> to vector<768x256xf32>
    %add3A_271 = arith.addf %mul3A_269, %add3A_270 : vector<768x256xf32>
    %max3A_272 = arith.constant 0.000000e+00 : f32
    %max3A_273 = vector.broadcast %max3A_272 : f32 to vector<768x256xf32>
    %max3A_274 = arith.maximumf %add3A_271, %max3A_273 : vector<768x256xf32>
    %get3A_275 = arith.constant 0 : index
    %get3A_276 = arith.constant 0 : index
    %get3A_277 = vector.load %arg7[%get3A_275, %get3A_276] : memref<256x64xf32, #tpu.memory_space<vmem>>, vector<256x64xf32>
    %dot_general3A_278 = arith.constant dense<0.000000e+00> : vector<768x64xf32>
    %dot_general3A_279 = tpu.matmul %max3A_274, %get3A_277, %dot_general3A_278 {dimension_numbers = #tpu.dot_dimension_numbers<[1], [0], [0], [1], [0, 0, 1, 1], [], []>, transpose_lhs_hint = false} : vector<768x256xf32>, vector<256x64xf32>, vector<768x64xf32> -> vector<768x64xf32>
    %get3A_280 = arith.constant 0 : index
    %get3A_281 = arith.constant 0 : index
    %get3A_282 = vector.load %arg8[%get3A_280, %get3A_281] : memref<1x64xf32, #tpu.memory_space<vmem>>, vector<1x64xf32>
    %get3A_283 = arith.constant 0 : index
    %get3A_284 = arith.constant 0 : index
    %get3A_285 = vector.load %arg9[%get3A_283, %get3A_284] : memref<64x1xf32, #tpu.memory_space<vmem>>, vector<64x1xf32>
    %get3A_286 = arith.constant 0 : index
    %get3A_287 = arith.constant 0 : index
    %get3A_288 = vector.load %arg10[%get3A_286, %get3A_287] : memref<64x1xf32, #tpu.memory_space<vmem>>, vector<64x1xf32>
    %get3A_289 = arith.constant 0 : index
    %get3A_290 = arith.constant 0 : index
    %get3A_291 = vector.load %arg11[%get3A_289, %get3A_290] : memref<1x64xf32, #tpu.memory_space<vmem>>, vector<1x64xf32>
    %dot_general3A_292 = arith.constant dense<0.000000e+00> : vector<1x768xf32>
    %dot_general3A_293 = tpu.matmul %get3A_282, %dot_general3A_279, %dot_general3A_292 {dimension_numbers = #tpu.dot_dimension_numbers<[1], [1], [0], [0], [0, 0, 1, 0], [], []>, transpose_lhs_hint = false} : vector<1x64xf32>, vector<768x64xf32>, vector<1x768xf32> -> vector<1x768xf32>
    %dot_general3A_294 = arith.constant dense<0.000000e+00> : vector<768x1xf32>
    %dot_general3A_295 = tpu.matmul %dot_general3A_279, %get3A_288, %dot_general3A_294 {dimension_numbers = #tpu.dot_dimension_numbers<[1], [0], [0], [1], [0, 0, 1, 1], [], []>, transpose_lhs_hint = false} : vector<768x64xf32>, vector<64x1xf32>, vector<768x1xf32> -> vector<768x1xf32>
    %dot_general3A_296 = arith.constant dense<0.000000e+00> : vector<768x1xf32>
    %dot_general3A_297 = tpu.matmul %dot_general3A_279, %get3A_285, %dot_general3A_296 {dimension_numbers = #tpu.dot_dimension_numbers<[1], [0], [0], [1], [0, 0, 1, 1], [], []>, transpose_lhs_hint = false} : vector<768x64xf32>, vector<64x1xf32>, vector<768x1xf32> -> vector<768x1xf32>
    %add3A_298 = arith.addf %dot_general3A_295, %dot_general3A_297 : vector<768x1xf32>
    %mul3A_299 = arith.constant 2.000000e-01 : f32
    %mul3A_300 = vector.broadcast %mul3A_299 : f32 to vector<768x1xf32>
    %mul3A_301 = arith.mulf %mul3A_300, %add3A_298 : vector<768x1xf32>
    %max3A_302 = arith.maximumf %add3A_298, %mul3A_301 : vector<768x1xf32>
    %slice3A_303 = vector.extract_strided_slice %dot_general3A_293 {offsets = [0, 0], sizes = [1, 128], strides = [1, 1]} : vector<1x768xf32> to vector<1x128xf32>
    %add3A_304 = vector.broadcast %dot_general3A_295 : vector<768x1xf32> to vector<768x128xf32>
    %add3A_305 = vector.broadcast %slice3A_303 : vector<1x128xf32> to vector<768x128xf32>
    %add3A_306 = arith.addf %add3A_304, %add3A_305 : vector<768x128xf32>
    %mul3A_307 = arith.constant 2.000000e-01 : f32
    %mul3A_308 = vector.broadcast %mul3A_307 : f32 to vector<768x128xf32>
    %mul3A_309 = arith.mulf %mul3A_308, %add3A_306 : vector<768x128xf32>
    %max3A_310 = arith.maximumf %add3A_306, %mul3A_309 : vector<768x128xf32>
    %add3A_311 = arith.addf %max3A_310, %select_n3A : vector<768x128xf32>
    %reduce_max3A_312 = arith.constant dense<0xFF800000> : vector<768xf32>
    %reduce_max3A_313 = vector.multi_reduction <maximumf>, %add3A_311, %reduce_max3A_312 [1] : vector<768x128xf32> to vector<768xf32>
    %broadcast_in_dim3A_314 = vector.shape_cast %reduce_max3A_313 : vector<768xf32> to vector<768x1xf32>
    %slice3A_315 = vector.extract_strided_slice %dot_general3A_293 {offsets = [0, 128], sizes = [1, 128], strides = [1, 1]} : vector<1x768xf32> to vector<1x128xf32>
    %add3A_316 = vector.broadcast %dot_general3A_295 : vector<768x1xf32> to vector<768x128xf32>
    %add3A_317 = vector.broadcast %slice3A_315 : vector<1x128xf32> to vector<768x128xf32>
    %add3A_318 = arith.addf %add3A_316, %add3A_317 : vector<768x128xf32>
    %mul3A_319 = arith.constant 2.000000e-01 : f32
    %mul3A_320 = vector.broadcast %mul3A_319 : f32 to vector<768x128xf32>
    %mul3A_321 = arith.mulf %mul3A_320, %add3A_318 : vector<768x128xf32>
    %max3A_322 = arith.maximumf %add3A_318, %mul3A_321 : vector<768x128xf32>
    %add3A_323 = arith.addf %max3A_322, %select_n3A_40 : vector<768x128xf32>
    %reduce_max3A_324 = arith.constant dense<0xFF800000> : vector<768xf32>
    %reduce_max3A_325 = vector.multi_reduction <maximumf>, %add3A_323, %reduce_max3A_324 [1] : vector<768x128xf32> to vector<768xf32>
    %broadcast_in_dim3A_326 = vector.shape_cast %reduce_max3A_325 : vector<768xf32> to vector<768x1xf32>
    %slice3A_327 = vector.extract_strided_slice %dot_general3A_293 {offsets = [0, 256], sizes = [1, 128], strides = [1, 1]} : vector<1x768xf32> to vector<1x128xf32>
    %add3A_328 = vector.broadcast %dot_general3A_295 : vector<768x1xf32> to vector<768x128xf32>
    %add3A_329 = vector.broadcast %slice3A_327 : vector<1x128xf32> to vector<768x128xf32>
    %add3A_330 = arith.addf %add3A_328, %add3A_329 : vector<768x128xf32>
    %mul3A_331 = arith.constant 2.000000e-01 : f32
    %mul3A_332 = vector.broadcast %mul3A_331 : f32 to vector<768x128xf32>
    %mul3A_333 = arith.mulf %mul3A_332, %add3A_330 : vector<768x128xf32>
    %max3A_334 = arith.maximumf %add3A_330, %mul3A_333 : vector<768x128xf32>
    %add3A_335 = arith.addf %max3A_334, %select_n3A_48 : vector<768x128xf32>
    %reduce_max3A_336 = arith.constant dense<0xFF800000> : vector<768xf32>
    %reduce_max3A_337 = vector.multi_reduction <maximumf>, %add3A_335, %reduce_max3A_336 [1] : vector<768x128xf32> to vector<768xf32>
    %broadcast_in_dim3A_338 = vector.shape_cast %reduce_max3A_337 : vector<768xf32> to vector<768x1xf32>
    %slice3A_339 = vector.extract_strided_slice %dot_general3A_293 {offsets = [0, 384], sizes = [1, 128], strides = [1, 1]} : vector<1x768xf32> to vector<1x128xf32>
    %add3A_340 = vector.broadcast %dot_general3A_295 : vector<768x1xf32> to vector<768x128xf32>
    %add3A_341 = vector.broadcast %slice3A_339 : vector<1x128xf32> to vector<768x128xf32>
    %add3A_342 = arith.addf %add3A_340, %add3A_341 : vector<768x128xf32>
    %mul3A_343 = arith.constant 2.000000e-01 : f32
    %mul3A_344 = vector.broadcast %mul3A_343 : f32 to vector<768x128xf32>
    %mul3A_345 = arith.mulf %mul3A_344, %add3A_342 : vector<768x128xf32>
    %max3A_346 = arith.maximumf %add3A_342, %mul3A_345 : vector<768x128xf32>
    %add3A_347 = arith.addf %max3A_346, %select_n3A_56 : vector<768x128xf32>
    %reduce_max3A_348 = arith.constant dense<0xFF800000> : vector<768xf32>
    %reduce_max3A_349 = vector.multi_reduction <maximumf>, %add3A_347, %reduce_max3A_348 [1] : vector<768x128xf32> to vector<768xf32>
    %broadcast_in_dim3A_350 = vector.shape_cast %reduce_max3A_349 : vector<768xf32> to vector<768x1xf32>
    %slice3A_351 = vector.extract_strided_slice %dot_general3A_293 {offsets = [0, 512], sizes = [1, 128], strides = [1, 1]} : vector<1x768xf32> to vector<1x128xf32>
    %add3A_352 = vector.broadcast %dot_general3A_295 : vector<768x1xf32> to vector<768x128xf32>
    %add3A_353 = vector.broadcast %slice3A_351 : vector<1x128xf32> to vector<768x128xf32>
    %add3A_354 = arith.addf %add3A_352, %add3A_353 : vector<768x128xf32>
    %mul3A_355 = arith.constant 2.000000e-01 : f32
    %mul3A_356 = vector.broadcast %mul3A_355 : f32 to vector<768x128xf32>
    %mul3A_357 = arith.mulf %mul3A_356, %add3A_354 : vector<768x128xf32>
    %max3A_358 = arith.maximumf %add3A_354, %mul3A_357 : vector<768x128xf32>
    %add3A_359 = arith.addf %max3A_358, %select_n3A_64 : vector<768x128xf32>
    %reduce_max3A_360 = arith.constant dense<0xFF800000> : vector<768xf32>
    %reduce_max3A_361 = vector.multi_reduction <maximumf>, %add3A_359, %reduce_max3A_360 [1] : vector<768x128xf32> to vector<768xf32>
    %broadcast_in_dim3A_362 = vector.shape_cast %reduce_max3A_361 : vector<768xf32> to vector<768x1xf32>
    %slice3A_363 = vector.extract_strided_slice %dot_general3A_293 {offsets = [0, 640], sizes = [1, 128], strides = [1, 1]} : vector<1x768xf32> to vector<1x128xf32>
    %add3A_364 = vector.broadcast %dot_general3A_295 : vector<768x1xf32> to vector<768x128xf32>
    %add3A_365 = vector.broadcast %slice3A_363 : vector<1x128xf32> to vector<768x128xf32>
    %add3A_366 = arith.addf %add3A_364, %add3A_365 : vector<768x128xf32>
    %mul3A_367 = arith.constant 2.000000e-01 : f32
    %mul3A_368 = vector.broadcast %mul3A_367 : f32 to vector<768x128xf32>
    %mul3A_369 = arith.mulf %mul3A_368, %add3A_366 : vector<768x128xf32>
    %max3A_370 = arith.maximumf %add3A_366, %mul3A_369 : vector<768x128xf32>
    %add3A_371 = arith.addf %max3A_370, %select_n3A_72 : vector<768x128xf32>
    %reduce_max3A_372 = arith.constant dense<0xFF800000> : vector<768xf32>
    %reduce_max3A_373 = vector.multi_reduction <maximumf>, %add3A_371, %reduce_max3A_372 [1] : vector<768x128xf32> to vector<768xf32>
    %broadcast_in_dim3A_374 = vector.shape_cast %reduce_max3A_373 : vector<768xf32> to vector<768x1xf32>
    %max3A_375 = arith.maximumf %max3A_302, %broadcast_in_dim3A_314 : vector<768x1xf32>
    %max3A_376 = arith.maximumf %max3A_375, %broadcast_in_dim3A_326 : vector<768x1xf32>
    %max3A_377 = arith.maximumf %max3A_376, %broadcast_in_dim3A_338 : vector<768x1xf32>
    %max3A_378 = arith.maximumf %max3A_377, %broadcast_in_dim3A_350 : vector<768x1xf32>
    %max3A_379 = arith.maximumf %max3A_378, %broadcast_in_dim3A_362 : vector<768x1xf32>
    %max3A_380 = arith.maximumf %max3A_379, %broadcast_in_dim3A_374 : vector<768x1xf32>
    %sub3A_381 = vector.broadcast %max3A_380 : vector<768x1xf32> to vector<768x128xf32>
    %sub3A_382 = arith.subf %max3A_310, %sub3A_381 : vector<768x128xf32>
    %min3A_383 = arith.constant 0.000000e+00 : f32
    %min3A_384 = vector.broadcast %min3A_383 : f32 to vector<768x128xf32>
    %min3A_385 = arith.minimumf %sub3A_382, %min3A_384 : vector<768x128xf32>
    %exp3A_386 = math.exp %min3A_385 : vector<768x128xf32>
    %mul3A_387 = arith.mulf %get3A_3, %exp3A_386 : vector<768x128xf32>
    %sub3A_388 = vector.broadcast %max3A_380 : vector<768x1xf32> to vector<768x128xf32>
    %sub3A_389 = arith.subf %max3A_322, %sub3A_388 : vector<768x128xf32>
    %min3A_390 = arith.constant 0.000000e+00 : f32
    %min3A_391 = vector.broadcast %min3A_390 : f32 to vector<768x128xf32>
    %min3A_392 = arith.minimumf %sub3A_389, %min3A_391 : vector<768x128xf32>
    %exp3A_393 = math.exp %min3A_392 : vector<768x128xf32>
    %mul3A_394 = arith.mulf %get3A_8, %exp3A_393 : vector<768x128xf32>
    %sub3A_395 = vector.broadcast %max3A_380 : vector<768x1xf32> to vector<768x128xf32>
    %sub3A_396 = arith.subf %max3A_334, %sub3A_395 : vector<768x128xf32>
    %min3A_397 = arith.constant 0.000000e+00 : f32
    %min3A_398 = vector.broadcast %min3A_397 : f32 to vector<768x128xf32>
    %min3A_399 = arith.minimumf %sub3A_396, %min3A_398 : vector<768x128xf32>
    %exp3A_400 = math.exp %min3A_399 : vector<768x128xf32>
    %mul3A_401 = arith.mulf %get3A_13, %exp3A_400 : vector<768x128xf32>
    %sub3A_402 = vector.broadcast %max3A_380 : vector<768x1xf32> to vector<768x128xf32>
    %sub3A_403 = arith.subf %max3A_346, %sub3A_402 : vector<768x128xf32>
    %min3A_404 = arith.constant 0.000000e+00 : f32
    %min3A_405 = vector.broadcast %min3A_404 : f32 to vector<768x128xf32>
    %min3A_406 = arith.minimumf %sub3A_403, %min3A_405 : vector<768x128xf32>
    %exp3A_407 = math.exp %min3A_406 : vector<768x128xf32>
    %mul3A_408 = arith.mulf %get3A_18, %exp3A_407 : vector<768x128xf32>
    %sub3A_409 = vector.broadcast %max3A_380 : vector<768x1xf32> to vector<768x128xf32>
    %sub3A_410 = arith.subf %max3A_358, %sub3A_409 : vector<768x128xf32>
    %min3A_411 = arith.constant 0.000000e+00 : f32
    %min3A_412 = vector.broadcast %min3A_411 : f32 to vector<768x128xf32>
    %min3A_413 = arith.minimumf %sub3A_410, %min3A_412 : vector<768x128xf32>
    %exp3A_414 = math.exp %min3A_413 : vector<768x128xf32>
    %mul3A_415 = arith.mulf %get3A_23, %exp3A_414 : vector<768x128xf32>
    %sub3A_416 = vector.broadcast %max3A_380 : vector<768x1xf32> to vector<768x128xf32>
    %sub3A_417 = arith.subf %max3A_370, %sub3A_416 : vector<768x128xf32>
    %min3A_418 = arith.constant 0.000000e+00 : f32
    %min3A_419 = vector.broadcast %min3A_418 : f32 to vector<768x128xf32>
    %min3A_420 = arith.minimumf %sub3A_417, %min3A_419 : vector<768x128xf32>
    %exp3A_421 = math.exp %min3A_420 : vector<768x128xf32>
    %mul3A_422 = arith.mulf %get3A_28, %exp3A_421 : vector<768x128xf32>
    %sub3A_423 = arith.subf %max3A_302, %max3A_380 : vector<768x1xf32>
    %exp3A_424 = math.exp %sub3A_423 : vector<768x1xf32>
    %reduce_sum3A_425 = arith.constant dense<0.000000e+00> : vector<768xf32>
    %reduce_sum3A_426 = vector.multi_reduction <add>, %mul3A_387, %reduce_sum3A_425 [1] : vector<768x128xf32> to vector<768xf32>
    %broadcast_in_dim3A_427 = vector.shape_cast %reduce_sum3A_426 : vector<768xf32> to vector<768x1xf32>
    %add3A_428 = arith.addf %exp3A_424, %broadcast_in_dim3A_427 : vector<768x1xf32>
    %reduce_sum3A_429 = arith.constant dense<0.000000e+00> : vector<768xf32>
    %reduce_sum3A_430 = vector.multi_reduction <add>, %mul3A_394, %reduce_sum3A_429 [1] : vector<768x128xf32> to vector<768xf32>
    %broadcast_in_dim3A_431 = vector.shape_cast %reduce_sum3A_430 : vector<768xf32> to vector<768x1xf32>
    %add3A_432 = arith.addf %add3A_428, %broadcast_in_dim3A_431 : vector<768x1xf32>
    %reduce_sum3A_433 = arith.constant dense<0.000000e+00> : vector<768xf32>
    %reduce_sum3A_434 = vector.multi_reduction <add>, %mul3A_401, %reduce_sum3A_433 [1] : vector<768x128xf32> to vector<768xf32>
    %broadcast_in_dim3A_435 = vector.shape_cast %reduce_sum3A_434 : vector<768xf32> to vector<768x1xf32>
    %add3A_436 = arith.addf %add3A_432, %broadcast_in_dim3A_435 : vector<768x1xf32>
    %reduce_sum3A_437 = arith.constant dense<0.000000e+00> : vector<768xf32>
    %reduce_sum3A_438 = vector.multi_reduction <add>, %mul3A_408, %reduce_sum3A_437 [1] : vector<768x128xf32> to vector<768xf32>
    %broadcast_in_dim3A_439 = vector.shape_cast %reduce_sum3A_438 : vector<768xf32> to vector<768x1xf32>
    %add3A_440 = arith.addf %add3A_436, %broadcast_in_dim3A_439 : vector<768x1xf32>
    %reduce_sum3A_441 = arith.constant dense<0.000000e+00> : vector<768xf32>
    %reduce_sum3A_442 = vector.multi_reduction <add>, %mul3A_415, %reduce_sum3A_441 [1] : vector<768x128xf32> to vector<768xf32>
    %broadcast_in_dim3A_443 = vector.shape_cast %reduce_sum3A_442 : vector<768xf32> to vector<768x1xf32>
    %add3A_444 = arith.addf %add3A_440, %broadcast_in_dim3A_443 : vector<768x1xf32>
    %reduce_sum3A_445 = arith.constant dense<0.000000e+00> : vector<768xf32>
    %reduce_sum3A_446 = vector.multi_reduction <add>, %mul3A_422, %reduce_sum3A_445 [1] : vector<768x128xf32> to vector<768xf32>
    %broadcast_in_dim3A_447 = vector.shape_cast %reduce_sum3A_446 : vector<768xf32> to vector<768x1xf32>
    %add3A_448 = arith.addf %add3A_444, %broadcast_in_dim3A_447 : vector<768x1xf32>
    %mul3A_449 = vector.broadcast %exp3A_424 : vector<768x1xf32> to vector<768x64xf32>
    %mul3A_450 = arith.mulf %mul3A_449, %dot_general3A_279 : vector<768x64xf32>
    %slice3A_451 = vector.extract_strided_slice %dot_general3A_279 {offsets = [0, 0], sizes = [128, 64], strides = [1, 1]} : vector<768x64xf32> to vector<128x64xf32>
    %dot_general3A_452 = arith.constant dense<0.000000e+00> : vector<768x64xf32>
    %dot_general3A_453 = tpu.matmul %mul3A_387, %slice3A_451, %dot_general3A_452 {dimension_numbers = #tpu.dot_dimension_numbers<[1], [0], [0], [1], [0, 0, 1, 1], [], []>, transpose_lhs_hint = false} : vector<768x128xf32>, vector<128x64xf32>, vector<768x64xf32> -> vector<768x64xf32>
    %add3A_454 = arith.addf %mul3A_450, %dot_general3A_453 : vector<768x64xf32>
    %slice3A_455 = vector.extract_strided_slice %dot_general3A_279 {offsets = [128, 0], sizes = [128, 64], strides = [1, 1]} : vector<768x64xf32> to vector<128x64xf32>
    %dot_general3A_456 = arith.constant dense<0.000000e+00> : vector<768x64xf32>
    %dot_general3A_457 = tpu.matmul %mul3A_394, %slice3A_455, %dot_general3A_456 {dimension_numbers = #tpu.dot_dimension_numbers<[1], [0], [0], [1], [0, 0, 1, 1], [], []>, transpose_lhs_hint = false} : vector<768x128xf32>, vector<128x64xf32>, vector<768x64xf32> -> vector<768x64xf32>
    %add3A_458 = arith.addf %add3A_454, %dot_general3A_457 : vector<768x64xf32>
    %slice3A_459 = vector.extract_strided_slice %dot_general3A_279 {offsets = [256, 0], sizes = [128, 64], strides = [1, 1]} : vector<768x64xf32> to vector<128x64xf32>
    %dot_general3A_460 = arith.constant dense<0.000000e+00> : vector<768x64xf32>
    %dot_general3A_461 = tpu.matmul %mul3A_401, %slice3A_459, %dot_general3A_460 {dimension_numbers = #tpu.dot_dimension_numbers<[1], [0], [0], [1], [0, 0, 1, 1], [], []>, transpose_lhs_hint = false} : vector<768x128xf32>, vector<128x64xf32>, vector<768x64xf32> -> vector<768x64xf32>
    %add3A_462 = arith.addf %add3A_458, %dot_general3A_461 : vector<768x64xf32>
    %slice3A_463 = vector.extract_strided_slice %dot_general3A_279 {offsets = [384, 0], sizes = [128, 64], strides = [1, 1]} : vector<768x64xf32> to vector<128x64xf32>
    %dot_general3A_464 = arith.constant dense<0.000000e+00> : vector<768x64xf32>
    %dot_general3A_465 = tpu.matmul %mul3A_408, %slice3A_463, %dot_general3A_464 {dimension_numbers = #tpu.dot_dimension_numbers<[1], [0], [0], [1], [0, 0, 1, 1], [], []>, transpose_lhs_hint = false} : vector<768x128xf32>, vector<128x64xf32>, vector<768x64xf32> -> vector<768x64xf32>
    %add3A_466 = arith.addf %add3A_462, %dot_general3A_465 : vector<768x64xf32>
    %slice3A_467 = vector.extract_strided_slice %dot_general3A_279 {offsets = [512, 0], sizes = [128, 64], strides = [1, 1]} : vector<768x64xf32> to vector<128x64xf32>
    %dot_general3A_468 = arith.constant dense<0.000000e+00> : vector<768x64xf32>
    %dot_general3A_469 = tpu.matmul %mul3A_415, %slice3A_467, %dot_general3A_468 {dimension_numbers = #tpu.dot_dimension_numbers<[1], [0], [0], [1], [0, 0, 1, 1], [], []>, transpose_lhs_hint = false} : vector<768x128xf32>, vector<128x64xf32>, vector<768x64xf32> -> vector<768x64xf32>
    %add3A_470 = arith.addf %add3A_466, %dot_general3A_469 : vector<768x64xf32>
    %slice3A_471 = vector.extract_strided_slice %dot_general3A_279 {offsets = [640, 0], sizes = [128, 64], strides = [1, 1]} : vector<768x64xf32> to vector<128x64xf32>
    %dot_general3A_472 = arith.constant dense<0.000000e+00> : vector<768x64xf32>
    %dot_general3A_473 = tpu.matmul %mul3A_422, %slice3A_471, %dot_general3A_472 {dimension_numbers = #tpu.dot_dimension_numbers<[1], [0], [0], [1], [0, 0, 1, 1], [], []>, transpose_lhs_hint = false} : vector<768x128xf32>, vector<128x64xf32>, vector<768x64xf32> -> vector<768x64xf32>
    %add3A_474 = arith.addf %add3A_470, %dot_general3A_473 : vector<768x64xf32>
    %div3A_475 = arith.constant 1.000000e+00 : f32
    %div3A_476 = vector.broadcast %div3A_475 : f32 to vector<768x1xf32>
    %div3A_477 = arith.divf %div3A_476, %add3A_448 : vector<768x1xf32>
    %mul3A_478 = vector.broadcast %div3A_477 : vector<768x1xf32> to vector<768x64xf32>
    %mul3A_479 = arith.mulf %add3A_474, %mul3A_478 : vector<768x64xf32>
    %add3A_480 = vector.broadcast %get3A_291 : vector<1x64xf32> to vector<768x64xf32>
    %add3A_481 = arith.addf %mul3A_479, %add3A_480 : vector<768x64xf32>
    %gt3A_482 = arith.constant 0.000000e+00 : f32
    %gt3A_483 = vector.broadcast %gt3A_482 : f32 to vector<768x64xf32>
    %gt3A_484 = arith.cmpf ogt, %add3A_481, %gt3A_483 : vector<768x64xf32>
    %mul3A_485 = arith.constant 0.00999999977 : f32
    %mul3A_486 = vector.broadcast %mul3A_485 : f32 to vector<768x64xf32>
    %mul3A_487 = arith.mulf %mul3A_486, %add3A_481 : vector<768x64xf32>
    %select_n3A_488 = arith.select %gt3A_484, %add3A_481, %mul3A_487 : vector<768x64xi1>, vector<768x64xf32>
    %slice3A_489 = vector.extract_strided_slice %select_n3A_488 {offsets = [0, 0], sizes = [650, 64], strides = [1, 1]} : vector<768x64xf32> to vector<650x64xf32>
    %get3A_490 = arith.constant 0 : index
    %get3A_491 = arith.constant 0 : index
    %get3A_492 = vector.load %arg12[%get3A_490, %get3A_491] : memref<650x64xf32, #tpu.memory_space<vmem>>, vector<650x64xf32>
    %mul3A_493 = arith.mulf %slice3A_489, %get3A_492 : vector<650x64xf32>
    %iota3A = tpu.iota {dimensions = array<i32: 0>} : vector<650x64xi32>
    %iota3A_494 = tpu.iota {dimensions = array<i32: 1>} : vector<650x64xi32>
    %mul3A_495 = arith.constant 64 : i32
    %mul3A_496 = vector.broadcast %mul3A_495 : i32 to vector<650x64xi32>
    %mul3A_497 = arith.muli %iota3A, %mul3A_496 : vector<650x64xi32>
    %add3A_498 = arith.addi %mul3A_497, %iota3A_494 : vector<650x64xi32>
    %jit3A_499 = arith.constant 650 : i32
    %div3A_500 = vector.broadcast %jit3A_499 : i32 to vector<650x64xi32>
    %div3A_501 = arith.divsi %add3A_498, %div3A_500 : vector<650x64xi32>
    %sign3A = arith.constant 0 : i32
    %sign3A_502 = vector.broadcast %sign3A : i32 to vector<650x64xi32>
    %sign3A_503 = arith.cmpi sgt, %add3A_498, %sign3A_502 : vector<650x64xi32>
    %sign3A_504 = arith.extui %sign3A_503 : vector<650x64xi1> to vector<650x64xi32>
    %sign3A_505 = arith.constant 0 : i32
    %sign3A_506 = vector.broadcast %sign3A_505 : i32 to vector<650x64xi32>
    %sign3A_507 = arith.cmpi slt, %add3A_498, %sign3A_506 : vector<650x64xi32>
    %sign3A_508 = arith.extui %sign3A_507 : vector<650x64xi1> to vector<650x64xi32>
    %sign3A_509 = arith.subi %sign3A_504, %sign3A_508 : vector<650x64xi32>
    %sign3A_510 = arith.constant 0 : i32
    %sign3A_511 = arith.cmpi sgt, %jit3A_499, %sign3A_510 : i32
    %sign3A_512 = arith.extui %sign3A_511 : i1 to i32
    %sign3A_513 = arith.constant 0 : i32
    %sign3A_514 = arith.cmpi slt, %jit3A_499, %sign3A_513 : i32
    %sign3A_515 = arith.extui %sign3A_514 : i1 to i32
    %sign3A_516 = arith.subi %sign3A_512, %sign3A_515 : i32
    %ne3A = vector.broadcast %sign3A_516 : i32 to vector<650x64xi32>
    %ne3A_517 = arith.cmpi ne, %sign3A_509, %ne3A : vector<650x64xi32>
    %rem3A = vector.broadcast %jit3A_499 : i32 to vector<650x64xi32>
    %rem3A_518 = arith.remsi %add3A_498, %rem3A : vector<650x64xi32>
    %ne3A_519 = arith.constant 0 : i32
    %ne3A_520 = vector.broadcast %ne3A_519 : i32 to vector<650x64xi32>
    %ne3A_521 = arith.cmpi ne, %rem3A_518, %ne3A_520 : vector<650x64xi32>
    %and3A = arith.andi %ne3A_517, %ne3A_521 : vector<650x64xi1>
    %sub3A_522 = arith.constant 1 : i32
    %sub3A_523 = vector.broadcast %sub3A_522 : i32 to vector<650x64xi32>
    %sub3A_524 = arith.subi %div3A_501, %sub3A_523 : vector<650x64xi32>
    %select_n3A_525 = arith.select %and3A, %sub3A_524, %div3A_501 : vector<650x64xi1>, vector<650x64xi32>
    %mul3A_526 = arith.constant 64 : i32
    %mul3A_527 = vector.broadcast %mul3A_526 : i32 to vector<650x64xi32>
    %mul3A_528 = arith.muli %iota3A, %mul3A_527 : vector<650x64xi32>
    %jit3A_529 = arith.constant 650 : i32
    %div3A_530 = vector.broadcast %jit3A_529 : i32 to vector<650x64xi32>
    %div3A_531 = arith.divsi %mul3A_528, %div3A_530 : vector<650x64xi32>
    %sign3A_532 = arith.constant 0 : i32
    %sign3A_533 = vector.broadcast %sign3A_532 : i32 to vector<650x64xi32>
    %sign3A_534 = arith.cmpi sgt, %mul3A_528, %sign3A_533 : vector<650x64xi32>
    %sign3A_535 = arith.extui %sign3A_534 : vector<650x64xi1> to vector<650x64xi32>
    %sign3A_536 = arith.constant 0 : i32
    %sign3A_537 = vector.broadcast %sign3A_536 : i32 to vector<650x64xi32>
    %sign3A_538 = arith.cmpi slt, %mul3A_528, %sign3A_537 : vector<650x64xi32>
    %sign3A_539 = arith.extui %sign3A_538 : vector<650x64xi1> to vector<650x64xi32>
    %sign3A_540 = arith.subi %sign3A_535, %sign3A_539 : vector<650x64xi32>
    %sign3A_541 = arith.constant 0 : i32
    %sign3A_542 = arith.cmpi sgt, %jit3A_529, %sign3A_541 : i32
    %sign3A_543 = arith.extui %sign3A_542 : i1 to i32
    %sign3A_544 = arith.constant 0 : i32
    %sign3A_545 = arith.cmpi slt, %jit3A_529, %sign3A_544 : i32
    %sign3A_546 = arith.extui %sign3A_545 : i1 to i32
    %sign3A_547 = arith.subi %sign3A_543, %sign3A_546 : i32
    %ne3A_548 = vector.broadcast %sign3A_547 : i32 to vector<650x64xi32>
    %ne3A_549 = arith.cmpi ne, %sign3A_540, %ne3A_548 : vector<650x64xi32>
    %rem3A_550 = vector.broadcast %jit3A_529 : i32 to vector<650x64xi32>
    %rem3A_551 = arith.remsi %mul3A_528, %rem3A_550 : vector<650x64xi32>
    %ne3A_552 = arith.constant 0 : i32
    %ne3A_553 = vector.broadcast %ne3A_552 : i32 to vector<650x64xi32>
    %ne3A_554 = arith.cmpi ne, %rem3A_551, %ne3A_553 : vector<650x64xi32>
    %and3A_555 = arith.andi %ne3A_549, %ne3A_554 : vector<650x64xi1>
    %sub3A_556 = arith.constant 1 : i32
    %sub3A_557 = vector.broadcast %sub3A_556 : i32 to vector<650x64xi32>
    %sub3A_558 = arith.subi %div3A_531, %sub3A_557 : vector<650x64xi32>
    %select_n3A_559 = arith.select %and3A_555, %sub3A_558, %div3A_531 : vector<650x64xi1>, vector<650x64xi32>
    %eq3A = arith.cmpi eq, %select_n3A_525, %select_n3A_559 : vector<650x64xi32>
    %jit3A_560 = arith.constant 0.000000e+00 : f32
    %broadcast_in_dim3A_561 = vector.broadcast %jit3A_560 : f32 to vector<650x64xf32>
    %select_n3A_562 = arith.select %eq3A, %mul3A_493, %broadcast_in_dim3A_561 : vector<650x64xi1>, vector<650x64xf32>
    %reduce_sum3A_563 = arith.constant dense<0.000000e+00> : vector<650xf32>
    %reduce_sum3A_564 = vector.multi_reduction <add>, %select_n3A_562, %reduce_sum3A_563 [1] : vector<650x64xf32> to vector<650xf32>
    %broadcast_in_dim3A_565 = vector.shape_cast %reduce_sum3A_564 : vector<650xf32> to vector<650x1xf32>
    %jit3A_566 = arith.constant 0.000000e+00 : f32
    %broadcast_in_dim3A_567 = vector.broadcast %jit3A_566 : f32 to vector<650x64xf32>
    %select_n3A_568 = arith.select %eq3A, %broadcast_in_dim3A_567, %mul3A_493 : vector<650x64xi1>, vector<650x64xf32>
    %reduce_sum3A_569 = arith.constant dense<0.000000e+00> : vector<650xf32>
    %reduce_sum3A_570 = vector.multi_reduction <add>, %select_n3A_568, %reduce_sum3A_569 [1] : vector<650x64xf32> to vector<650xf32>
    %broadcast_in_dim3A_571 = vector.shape_cast %reduce_sum3A_570 : vector<650xf32> to vector<650x1xf32>
    %iota3A_572 = tpu.iota {dimensions = array<i32: 0>} : vector<64x650xi32>
    %iota3A_573 = tpu.iota {dimensions = array<i32: 1>} : vector<64x650xi32>
    %mul3A_574 = arith.constant 64 : i32
    %mul3A_575 = vector.broadcast %mul3A_574 : i32 to vector<64x650xi32>
    %mul3A_576 = arith.muli %iota3A_573, %mul3A_575 : vector<64x650xi32>
    %jit3A_577 = arith.constant 650 : i32
    %div3A_578 = vector.broadcast %jit3A_577 : i32 to vector<64x650xi32>
    %div3A_579 = arith.divsi %mul3A_576, %div3A_578 : vector<64x650xi32>
    %sign3A_580 = arith.constant 0 : i32
    %sign3A_581 = vector.broadcast %sign3A_580 : i32 to vector<64x650xi32>
    %sign3A_582 = arith.cmpi sgt, %mul3A_576, %sign3A_581 : vector<64x650xi32>
    %sign3A_583 = arith.extui %sign3A_582 : vector<64x650xi1> to vector<64x650xi32>
    %sign3A_584 = arith.constant 0 : i32
    %sign3A_585 = vector.broadcast %sign3A_584 : i32 to vector<64x650xi32>
    %sign3A_586 = arith.cmpi slt, %mul3A_576, %sign3A_585 : vector<64x650xi32>
    %sign3A_587 = arith.extui %sign3A_586 : vector<64x650xi1> to vector<64x650xi32>
    %sign3A_588 = arith.subi %sign3A_583, %sign3A_587 : vector<64x650xi32>
    %sign3A_589 = arith.constant 0 : i32
    %sign3A_590 = arith.cmpi sgt, %jit3A_577, %sign3A_589 : i32
    %sign3A_591 = arith.extui %sign3A_590 : i1 to i32
    %sign3A_592 = arith.constant 0 : i32
    %sign3A_593 = arith.cmpi slt, %jit3A_577, %sign3A_592 : i32
    %sign3A_594 = arith.extui %sign3A_593 : i1 to i32
    %sign3A_595 = arith.subi %sign3A_591, %sign3A_594 : i32
    %ne3A_596 = vector.broadcast %sign3A_595 : i32 to vector<64x650xi32>
    %ne3A_597 = arith.cmpi ne, %sign3A_588, %ne3A_596 : vector<64x650xi32>
    %rem3A_598 = vector.broadcast %jit3A_577 : i32 to vector<64x650xi32>
    %rem3A_599 = arith.remsi %mul3A_576, %rem3A_598 : vector<64x650xi32>
    %ne3A_600 = arith.constant 0 : i32
    %ne3A_601 = vector.broadcast %ne3A_600 : i32 to vector<64x650xi32>
    %ne3A_602 = arith.cmpi ne, %rem3A_599, %ne3A_601 : vector<64x650xi32>
    %and3A_603 = arith.andi %ne3A_597, %ne3A_602 : vector<64x650xi1>
    %sub3A_604 = arith.constant 1 : i32
    %sub3A_605 = vector.broadcast %sub3A_604 : i32 to vector<64x650xi32>
    %sub3A_606 = arith.subi %div3A_579, %sub3A_605 : vector<64x650xi32>
    %select_n3A_607 = arith.select %and3A_603, %sub3A_606, %div3A_579 : vector<64x650xi1>, vector<64x650xi32>
    %eq3A_608 = arith.cmpi eq, %select_n3A_607, %iota3A_572 : vector<64x650xi32>
    %jit3A_609 = arith.constant 1.000000e+00 : f32
    %jit3A_610 = arith.constant 0.000000e+00 : f32
    %broadcast_in_dim3A_611 = vector.broadcast %jit3A_609 : f32 to vector<64x650xf32>
    %broadcast_in_dim3A_612 = vector.broadcast %jit3A_610 : f32 to vector<64x650xf32>
    %select_n3A_613 = arith.select %eq3A_608, %broadcast_in_dim3A_611, %broadcast_in_dim3A_612 : vector<64x650xi1>, vector<64x650xf32>
    %add3A_614 = arith.constant 1 : i32
    %add3A_615 = vector.broadcast %add3A_614 : i32 to vector<64x650xi32>
    %add3A_616 = arith.addi %select_n3A_607, %add3A_615 : vector<64x650xi32>
    %eq3A_617 = arith.cmpi eq, %add3A_616, %iota3A_572 : vector<64x650xi32>
    %jit3A_618 = arith.constant 1.000000e+00 : f32
    %jit3A_619 = arith.constant 0.000000e+00 : f32
    %broadcast_in_dim3A_620 = vector.broadcast %jit3A_618 : f32 to vector<64x650xf32>
    %broadcast_in_dim3A_621 = vector.broadcast %jit3A_619 : f32 to vector<64x650xf32>
    %select_n3A_622 = arith.select %eq3A_617, %broadcast_in_dim3A_620, %broadcast_in_dim3A_621 : vector<64x650xi1>, vector<64x650xf32>
    %dot_general3A_623 = arith.constant dense<0.000000e+00> : vector<1x64xf32>
    %dot_general3A_624 = tpu.matmul %broadcast_in_dim3A_565, %select_n3A_613, %dot_general3A_623 {dimension_numbers = #tpu.dot_dimension_numbers<[0], [1], [1], [0], [0, 1, 1, 0], [], []>, transpose_lhs_hint = false} : vector<650x1xf32>, vector<64x650xf32>, vector<1x64xf32> -> vector<1x64xf32>
    %dot_general3A_625 = arith.constant dense<0.000000e+00> : vector<1x64xf32>
    %dot_general3A_626 = tpu.matmul %broadcast_in_dim3A_571, %select_n3A_622, %dot_general3A_625 {dimension_numbers = #tpu.dot_dimension_numbers<[0], [1], [1], [0], [0, 1, 1, 0], [], []>, transpose_lhs_hint = false} : vector<650x1xf32>, vector<64x650xf32>, vector<1x64xf32> -> vector<1x64xf32>
    %add3A_627 = arith.addf %dot_general3A_624, %dot_general3A_626 : vector<1x64xf32>
    %get3A_628 = arith.constant 0 : index
    %get3A_629 = arith.constant 0 : index
    %get3A_630 = vector.load %arg13[%get3A_628, %get3A_629] : memref<1x1xf32, #tpu.memory_space<vmem>>, vector<1x1xf32>
    %add3A_631 = vector.broadcast %get3A_630 : vector<1x1xf32> to vector<1x64xf32>
    %add3A_632 = arith.addf %add3A_627, %add3A_631 : vector<1x64xf32>
    %neg3A = arith.constant 0.000000e+00 : f32
    %neg3A_633 = vector.broadcast %neg3A : f32 to vector<1x64xf32>
    %neg3A_634 = arith.subf %neg3A_633, %add3A_632 : vector<1x64xf32>
    %exp3A_635 = math.exp %neg3A_634 : vector<1x64xf32>
    %add3A_636 = arith.constant 1.000000e+00 : f32
    %add3A_637 = vector.broadcast %add3A_636 : f32 to vector<1x64xf32>
    %add3A_638 = arith.addf %add3A_637, %exp3A_635 : vector<1x64xf32>
    %div3A_639 = arith.constant 1.000000e+00 : f32
    %div3A_640 = vector.broadcast %div3A_639 : f32 to vector<1x64xf32>
    %div3A_641 = arith.divf %div3A_640, %add3A_638 : vector<1x64xf32>
    %swap3A = arith.constant 0 : index
    %swap3A_642 = arith.constant 0 : index
    %swap3A_643 = vector.load %arg14[%swap3A, %swap3A_642] : memref<1x64xf32, #tpu.memory_space<vmem>>, vector<1x64xf32>
    tpu.vector_store %arg14[%swap3A, %swap3A_642], %div3A_641 {strides = array<i32>} : memref<1x64xf32, #tpu.memory_space<vmem>>, vector<1x64xf32>,
    return
  }
}

</mosaic_0001>

<sc_bundles>
// kernel: kernel.4.cloned.1.call-start
scs
__scs_entry_jumppad:
0x0: {  	(pc) =	sbr.rel $0x88, $3  }
0x1: {  	(tag) =	ssettag $0x0;
	lr =	simm.s32 $0x1  }
0x2: {  	[smem:$0x3F94] =	sst lr;
	_ =	strace $0xD0000000  }
0x3: {  	_ = 	snop  }
0x4: {  	_ = 	snop  }
0x5: {  	_ = 	snop  }
0x6: {  	_ = 	snop  }
0x7: {  	_ = 	snop  }
__scs_overlays_trampoline_lowered:
0x8: {  	[smem:$0x3FA3] =	sst s0  }
0x9: {  	[smem:$0x3FA4] =	sst s1  }
0xa: {  	[smem:$0x3FA5] =	sst s2  }
0xb: {  	[smem:$0x3FA6] =	sst s3  }
0xc: {  	[smem:$0x3FA7] =	sst s4  }
0xd: {  	[smem:$0x3FA8] =	sst s5  }
0xe: {  	[smem:$0x3FA9] =	sst s6  }
0xf: {  	[smem:$0x3FAA] =	sst s7  }
0x10: {  	[smem:$0x3FAB] =	sst s8  }
0x11: {  	[smem:$0x3FAC] =	sst s9;
	s0 =	simm.s32 @!p0 $0x0  }
0x12: {  	s1 =	sld [smem:$0x3F92];
	s0 =	simm.s32 @p0 $0x1  }
0x13: {  	[smem:$0x3FAD] =	sst s0;
	s0 =	simm.s32 @!p1 $0x0  }
0x14: {  	s2 =	sld [smem:$0x3F91];
	s0 =	simm.s32 @p1 $0x1  }
0x15: {  	[smem:$0x3FAE] =	sst s0;
	s0 =	simm.s32 @!p2 $0x0  }
0x16: {  	s3 =	sld [smem:$0x3FDB];
	s0 =	simm.s32 @p2 $0x1  }
0x17: {  	s4 =	simm.s32 $0x1BF5;
	[smem:$0x3FB0] =	sst s0  }
0x18: {  	s0 =	sld [smem:$0x3F93];
	_ =	swait.ge [sflag:s4], $0x0  }
0x19: {  	s7 =	sld [smem:$0x3F94]  }
0x1a: {  	s8 =	sadd.s32 $0xFFFFE003, lr  }
0x1b: {  	s9 =	sadd.s32 $0xFFFFFEF7, lr;
	s5 =	simm.s32 $0xFFFFFFFF;
	p2 =	slt.u32 s8, $0xFFFFF086  }
0x1c: {  	p1 =	slt.u32 s9, $0xF7A;
	s5 =	simm.s32 @!p2 $0x0  }
0x1d: {  	s5 =	simm.s32 @p1 $0x1;
	p0 =	seq.s32 s7, s2  }
0x1e: {  	s7 =	smul.u32 @!p0 $0xF7A, s2;
	p2 =	seq.s32 @!p0 s5, $0x0  }
0x1f: {  	s9 =	smul.u32 $0xF7A, s1;
	s8 =	simm.s32 @!p0 $0x1BF5;
	p2 =	por !p2, p0  }
0x20: {  	[sflag:s8] =	ssyncset.s32 @!p0 $0xFFFFF086;
	s6 =	sadd.s32 @!p0 s3, s7;
	s7 =	simm.s32 @!p0 $0x108  }
0x21: {  	s3 =	sadd.s32 s3, s9;
	s6 =	sadd.s32 @!p0 $0x88, s6;
	s7 =	simm.s32 @p2 $0x1082  }
0x22: {  	[simem:s7], [sflag:s8] =	dma.local @!p0 [hbm:s6], $0xF7A  }
0x23: {  	s9 =	sor.u32 $0xD0000000, s2;
	s6 =	simm.s32 $0x108;
	_ =	swait.ge @!p0 [sflag:s8], $0x0  }
0x24: {  	s3 =	sadd.s32 $0x88, s3;
	s6 =	simm.s32 @!p1 $0x1082;
	[sflag:s4] =	ssyncset.s32 $0xFFFFF086  }
0x25: {  	[simem:s6], [sflag:s4] =	dma.local [hbm:s3], $0xF7A  }
0x26: {  	[smem:$0x3F94] =	sst s1;
	(tag) =	ssettag s2;
	_ =	strace s9  }
0x27: {  	s1 =	sld [smem:$0x3FA4]  }
0x28: {  	s2 =	sld [smem:$0x3FA5]  }
0x29: {  	s4 =	sld [smem:$0x3FA7]  }
0x2a: {  	p0 =	seq.s32 s5, $0x0;
	s5 =	sld [smem:$0x3FA8]  }
0x2b: {  	s6 =	sld [smem:$0x3FA9]  }
0x2c: {  	s7 =	sld [smem:$0x3FAA]  }
0x2d: {  	s3 =	simm.s32 $0x108;
	s8 =	sld [smem:$0x3FAB]  }
0x2e: {  	s3 =	simm.s32 @!p0 $0x1082;
	s9 =	sld [smem:$0x3FAC]  }
0x2f: {  	lr =	sadd.s32 s0, s3;
	s0 =	sld [smem:$0x3FA3]  }
0x30: {  	s3 =	sld [smem:$0x3FA6]  }
0x31: {  	[smem:$0x3FAF] =	sst s10  }
0x32: {  	s10 =	sld [smem:$0x3FAD];
	_ =	sdelay $0x3  }
0x33: {  	p0 =	seq.s32 s10, $0x1;
	s10 =	sld [smem:$0x3FAF];
	_ =	sdelay $0x3  }
0x34: {  	[smem:$0x3FAF] =	sst s10  }
0x35: {  	s10 =	sld [smem:$0x3FAE];
	_ =	sdelay $0x3  }
0x36: {  	p1 =	seq.s32 s10, $0x1;
	s10 =	sld [smem:$0x3FAF];
	_ =	sdelay $0x3  }
0x37: {  	[smem:$0x3FAF] =	sst s10  }
0x38: {  	s10 =	sld [smem:$0x3FB0]  }
0x39: {  	_ = 	snop;
	(pc) =	sbr.ind lr, $3  }
0x3a: {  	_ = 	snop  }
0x3b: {  	_ = 	snop  }
0x3c: {  	p2 =	seq.s32 s10, $0x1;
	s10 =	sld [smem:$0x3FAF]  }
0x3d: {  	_ =	shalt  }
0x3e: {  	_ =	shalt  }
0x3f: {  	_ =	shalt  }
0x40: {  	_ =	shalt  }
0x41: {  	_ =	shalt  }
0x42: {  	_ =	shalt  }
0x43: {  	_ =	shalt  }
0x44: {  	_ =	shalt  }
0x45: {  	_ =	shalt  }
0x46: {  	_ =	shalt  }
0x47: {  	_ =	shalt  }
0x48: {  	_ =	shalt  }
0x49: {  	_ =	shalt  }
0x4a: {  	_ =	shalt  }
0x4b: {  	_ =	shalt  }
0x4c: {  	_ =	shalt  }
0x4d: {  	_ =	shalt  }
0x4e: {  	_ =	shalt  }
0x4f: {  	_ =	shalt  }
0x50: {  	_ =	shalt  }
0x51: {  	_ =	shalt  }
0x52: {  	_ =	shalt  }
0x53: {  	_ =	shalt  }
0x54: {  	_ =	shalt  }
0x55: {  	_ =	shalt  }
0x56: {  	_ =	shalt  }
0x57: {  	_ =	shalt  }
0x58: {  	_ =	shalt  }
0x59: {  	_ =	shalt  }
0x5a: {  	_ =	shalt  }
0x5b: {  	_ =	shalt  }
0x5c: {  	_ =	shalt  }
0x5d: {  	_ =	shalt  }
0x5e: {  	_ =	shalt  }
0x5f: {  	_ =	shalt  }
0x60: {  	_ =	shalt  }
0x61: {  	_ =	shalt  }
0x62: {  	_ =	shalt  }
0x63: {  	_ =	shalt  }
0x64: {  	_ =	shalt  }
0x65: {  	_ =	shalt  }
0x66: {  	_ =	shalt  }
0x67: {  	_ =	shalt  }
0x68: {  	_ =	shalt  }
0x69: {  	_ =	shalt  }
0x6a: {  	_ =	shalt  }
0x6b: {  	_ =	shalt  }
0x6c: {  	_ =	shalt  }
0x6d: {  	_ =	shalt  }
0x6e: {  	_ =	shalt  }
0x6f: {  	_ =	shalt  }
0x70: {  	_ =	shalt  }
0x71: {  	_ =	shalt  }
0x72: {  	_ =	shalt  }
0x73: {  	_ =	shalt  }
0x74: {  	_ =	shalt  }
0x75: {  	_ =	shalt  }
0x76: {  	_ =	shalt  }
0x77: {  	_ =	shalt  }
0x78: {  	_ =	shalt  }
0x79: {  	_ =	shalt  }
0x7a: {  	_ =	shalt  }
0x7b: {  	_ =	shalt  }
0x7c: {  	_ =	shalt  }
0x7d: {  	_ =	shalt  }
0x7e: {  	_ =	shalt  }
0x7f: {  	_ =	shalt  }
0x80: {  	_ =	shalt  }
0x81: {  	_ =	shalt  }
0x82: {  	_ =	shalt  }
0x83: {  	_ =	shalt  }
0x84: {  	_ =	shalt  }
0x85: {  	_ =	shalt  }
0x86: {  	_ =	shalt  }
0x87: {  	_ =	shalt  }
.Lfunc_end0:
.L_simem_size_0:
called_computation_lowered:
.L_overlay_start_0:
0x88: {  	s2 =	sld [smem:$0x3FD9]  }
0x89: {  	s3 =	sld [smem:$0x3FFE];
	_ =	sdelay $0x1  }
0x8a: {  	s1 =	srdreg.scid  }
0x8b: {  	s0 =	sand.u32 $0x1, s1  }
0x8c: {  	s17 =	sshll.u32 s0, $0xA;
	s2 =	sadd.s32 s3, s2  }
0x8d: {  	s2 =	sadd.s32 s2, s17  }
0x8e: {  	[smem:$0x3FBB] =	sst s2  }
0x8f: {  	_ = 	snop  }
0x90: {  	s2 =	sld [smem:$0x3FC7];
	(tm) =	ssettm $0x1  }
0x91: {  	s18 =	sld [smem:$0x3FFB];
	_ =	sdelay $0x3  }
0x92: {  	_ =	strace s18  }
0x93: {  	s3 =	sld [smem:$0x3FFC];
	_ =	sdelay $0x3  }
0x94: {  	_ =	strace s3  }
0x95: {  	s3 =	sld [smem:$0x3FFD];
	_ =	sdelay $0x3  }
0x96: {  	_ =	strace s3  }
0x97: {  	_ =	strace $0x8FFFFFFF  }
0x98: {  	s19 =	sld [smem:$0x3FDB];
	_ =	sdelay $0x1  }
0x99: {  	s4 =	simm.s32 $_scs_section_size  }
0x9a: {  	s5 =	simm.s32 $_size__tile_overlayer_lowered;
	s6 =	simm.s32 $_tile_overlayer_lowered  }
0x9b: {  	s22 =	simm.s32 $0x1BFF;
	s21 =	sshll.u32 s6, $0x1;
	s3 =	sadd.s32 s4, s19  }
0x9c: {  	s7 =	simm.s32 $0x0;
	s20 =	sshll.u32 s5, $0x1;
	s5 =	sadd.s32 s21, s3  }
0x9d: {  	[timem:s7], [sflag:s22] =	dma.local [hbm:s5], s20  }
0x9e: {  	_ =	swait.ge [sflag:s22], s20  }
0x9f: {  	s4 =	ssub.s32 $0x0, s20;
	[sflag:s22] =	ssyncset.done $0x0  }
0xa0: {  	[sflag:s22] =	ssyncadd.s32 s4;
	_ =	sdelay $0x1  }
0xa1: {  	s23 =	simm.s32 $0x1B8B  }
0xa2: {  	_ =	swait.ge [sflag:s23], $0x1  }
0xa3: {  	[sflag:s23] =	ssyncset.done $0x0  }
0xa4: {  	s25 =	simm.s32 $0x1B8E;
	s24 =	sld [smem:$0x3FFE];
	[sflag:s23] =	ssyncadd.s32 $0xFFFFFFFF  }
0xa5: {  	s26 =	simm.s32 $execute0_lowered;
	[smem:$0x3FD2] =	sst s25  }
0xa6: {  	s5 =	sshll.u32 s26, $0x1;
	_ =	strace $0x80000046;
	[dreg:$0x1] =	wrdreg $0xFFFFFFFF  }
0xa7: {  	s28 =	simm.s32 $_size_execute0_lowered;
	s3 =	sadd.s32 s3, s5;
	[dreg:$0x0] =	wrdreg $0x0  }
0xa8: {  	s5 =	sshll.u32 s28, $0x1;
	[dreg:$0x2] =	wrdreg s3  }
0xa9: {  	[dreg:$0x3] =	wrdreg s5  }
0xaa: {  	[dreg:$0x4] =	wrdreg $0xC0  }
0xab: {  	_ =	task [dreg:s7], $0x5FFFF  }
0xac: {  	[dreg:$0x1] =	wrdreg $0xFFFFFFFF  }
0xad: {  	[dreg:$0x0] =	wrdreg $0x60  }
0xae: {  	[dreg:$0x2] =	wrdreg s2  }
0xaf: {  	[dreg:$0x3] =	wrdreg s24  }
0xb0: {  	[dreg:$0x4] =	wrdreg $0x6A000  }
0xb1: {  	[dreg:$0x5] =	wrdreg $0x9  }
0xb2: {  	_ =	task.clear_ibuf [dreg:s7], $0x6FFFF;
	_ =	strace $0x90000046  }
0xb3: {  	s29 =	simm.s32 $0x9;
	_ =	strace $0x80000048  }
0xb4: {  	_ =	swait.ge [sflag:s29], $0x1  }
0xb5: {  	[sflag:s29] =	ssyncadd.s32 $0xFFFFFFFF  }
0xb6: {  	_ =	strace $0x90000048  }
0xb7: {  	_ =	sfence  }
0xb8: {  	s30 =	sld [smem:$0x0];
	_ =	sdelay $0x2  }
0xb9: {  	s31 =	sshll.u32 s1, $0xD;
	s1 =	sshrl.u32 s1, $0x2  }
0xba: {  	s3 =	sand.u32 $0x4000, s31;
	s1 =	sadd.s32 s1, s30  }
0xbb: {  	s0 =	sor.u32 s3, s0;
	s1 =	sshll.u32 s1, $0x11  }
0xbc: {  	s0 =	sor.u32 s1, s0  }
0xbd: {  	s0 =	sadd.s32 $0x8F2B, s0  }
0xbe: {  	[sflag:s0] =	ssyncadd.remote.s32 $0x1  }
0xbf: {  	_ =	sfence.sel $0xFFFF  }
0xc0: {  	[dreg:$0x0] =	wrdreg $0xFFFFFFFF;
	(pc) =	sbr.abs _section_cstart, $3  }
0xc1: {  	[dreg:$0x1] =	wrdreg $0xFFFFFFFF  }
0xc2: {  	_ =	task.clear_ibuf [dreg:s7], $0x2FFFF;
	_ =	strace $0x9FFFFFFF  }
0xc3: {  	(tm) =	ssettm $0x7FFFFFFF  }
tec
execute0_lowered:
.L_overlay_start_1:
0x0: {  	(tag) =	ssettag $0x1  }
0x1: {  	s0 =	rddreg [dreg:$0x0]  }
0x2: {  	s1 =	rddreg [dreg:$0x1];
	s3 =	srdreg.scid  }
0x3: {  	s10 =	stileid.u32;
	s2 =	rddreg [dreg:$0x2];
	s29 =	simm.s32 $0x2100  }
0x4: {  	s31 =	simm.s32 $0x2D80;
	s28 =	simm.s32 $0x5D80;
	s6 =	smul.u32 $0xC00, s10  }
0x5: {  	s30 =	simm.s32 $0x2;
	s5 =	sand.u32 $0x1, s3;
	s8 =	smul.u32 $0x280, s10  }
0x6: {  	s3 =	simm.s32 $0x0;
	s9 =	smul.u32 $0x12100, s10;
	s22 =	sshll.u32 s10, $0x5  }
0x7: {  	p0 =	sgt.u32 s10, $0x4;
	s4 =	smul.u32 $0xC000, s5;
	[smem:$0x7FF] =	sst s3  }
0x8: {  	s7 =	ssub.s32 $0x2, s5;
	s5 =	smul.u32 $0x180, s5;
	_ =	strace $0x80000047  }
0x9: {  	s21 =	sshrl.u32 s7, $0x1;
	s9 =	sshrl.u32 s9, $0x2;
	s4 =	sadd.s32 s6, s4  }
0xa: {  	s7 =	ssub.s32 s7, s21;
	s23 =	sadd.s32 s9, s2;
	v0 =	vmov s5;
	s5 =	simm.s32 $0x0  }
0xb: {  	s4 =	sshrl.u32 s4, $0x3;
	[dreg:$0x5] =	wrdreg s23;
	s21 =	smax.u32 s7, $0x1  }
0xc: {  	s23 =	simm.s32 $0x100;
	s1 =	sadd.s32 s4, s1;
	s4 =	sadd.s32 s0, s8  }
0xd: {  	s0 =	sadd.s32 s22, s0;
	s8 =	sadd.s32 s6, s2;
	s22 =	simm.s32 $0x80  }
0xe: {  	s11 =	sadd.s32 $0x10, s4;
	s24 =	sadd.s32 $0x2800, s0;
	s0 =	sadd.s32 $0x2810, s0  }
0xf: {  	s25 =	sadd.s32 $0xC000, s8;
	s26 =	sadd.s32 $0x18000, s8;
	s12 =	sadd.s32 $0x24000, s8  }
0x10: {  	s13 =	sadd.s32 $0x30000, s8;
	s14 =	sadd.s32 $0x3C000, s8;
	[dreg:$0x4] =	wrdreg s11  }
0x11: {  	s15 =	sadd.s32 $0x1800, s1;
	s16 =	sadd.s32 $0x4800, s1;
	[dreg:$0x6] =	wrdreg s24  }
0x12: {  	s17 =	sadd.s32 $0x7800, s1;
	s18 =	sadd.s32 $0xA800, s1;
	[dreg:$0x7] =	wrdreg s0  }
0x13: {  	s19 =	sadd.s32 $0xD800, s1;
	s20 =	sadd.s32 $0x10800, s1;
	[dreg:$0x8] =	wrdreg s25  }
0x14: {  	s1 =	simm.s32 $0x3980;
	[dreg:$0x9] =	wrdreg s26;
	s25 =	simm.s32 $0x2180  }
0x15: {  	v1 =	vimm.f32 $0.0e+00;
	v2 =	vimm.f32 $1.000000000e+00;
	s26 =	simm.s32 $0x1;
	s0 =	simm.s32 $0x4580;
	s24 =	simm.s32 $0x5180  }
.LBB2_1:
0x16: {  	[tilespmem:s3], [sflag:$0x1] =	stream.strided.gather [hbm4b:s4+s22], $0xA00, s23, s22, $0x38;
	[tilespmem:$0xB240] =	vst v63  }
0x17: {  	s6 =	rddreg [dreg:$0x4];
	s7 =	simm.s32 $0xA80  }
0x18: {  	[tilespmem:s7], [sflag:$0x1] =	stream.strided.gather [hbm4b:s6+s22], $0xA00, s23, s22, $0x38;
	[tilespmem:$0xB240] =	vst v63  }
0x19: {  	s6 =	simm.s32 $0x21C0  }
0x1a: {  	[tilespmem:s6+$0xFFFFFFC0] =	vst v1  }
0x1b: {  	[tilespmem:s6+$0x30] =	vst v1  }
0x1c: {  	[tilespmem:s6+$0x20] =	vst v1  }
0x1d: {  	[tilespmem:s6+$0x10] =	vst v1  }
0x1e: {  	[tilespmem:s6+$0x0] =	vst v1  }
0x1f: {  	[tilespmem:s6+$0xFFFFFFF0] =	vst v1  }
0x20: {  	s7 =	simm.s32 $0x0;
	[tilespmem:s6+$0xFFFFFFE0] =	vst v1  }
.LBB2_2:
0x21: {  	s7 =	sadd.s32 $0x8, s7;
	[tilespmem:s6+$0xFFFFFFD0] =	vst v1;
	s6 =	sadd.s32 $0x80, s6  }
0x22: {  	[tilespmem:s6+$0xFFFFFFC0] =	vst v1;
	p1 =	slt.u32 s7, $0x478  }
0x23: {  	[tilespmem:s6+$0x30] =	vst v1  }
.Ltmp0:
0x24: {  	[tilespmem:s6+$0x20] =	vst v1;
	(pc) =	sbr.rel @p1 .LBB2_2-.Ltmp0, $4  }
0x25: {  	[tilespmem:s6+$0x10] =	vst v1  }
0x26: {  	[tilespmem:s6+$0x0] =	vst v1  }
0x27: {  	[tilespmem:s6+$0xFFFFFFF0] =	vst v1  }
0x28: {  	[tilespmem:s6+$0xFFFFFFE0] =	vst v1  }
0x29: {  	[tilespmem:s6+$0xFFFFFFD0] =	vst v1  }
0x2a: {  	[tilespmem:$0x6980] =	vst v1  }
0x2b: {  	[tilespmem:$0x6990] =	vst v1  }
0x2c: {  	[tilespmem:$0x69A0] =	vst v1  }
0x2d: {  	[tilespmem:$0x69B0] =	vst v1  }
0x2e: {  	[tilespmem:$0x2100] =	vst v2  }
0x2f: {  	[tilespmem:$0x2110] =	vst v2  }
0x30: {  	[tilespmem:$0x2120] =	vst v2  }
0x31: {  	[tilespmem:$0x2130] =	vst v2  }
0x32: {  	[tilespmem:$0x2140] =	vst v2  }
0x33: {  	[tilespmem:$0x2150] =	vst v2  }
0x34: {  	[tilespmem:$0x2160] =	vst v2  }
0x35: {  	s11 =	rddreg [dreg:$0x5];
	[tilespmem:$0x2170] =	vst v2  }
0x36: {  	[spmem:s11] =	stream.linear.scatter [tilespmem:s25], [sflag:$0x1], $0x4840, $0x38;
	[tilespmem:$0xB240] =	vst v63  }
0x37: {  	_ =	swait.ge [sflag:s26], $0xA00  }
0x38: {  	[sflag:s26] =	ssyncset.done $0x0  }
0x39: {  	[sflag:s26] =	ssyncadd.s32 $0xFFFFF600  }
0x3a: {  	_ =	swait.ge [sflag:s26], $0xA00  }
0x3b: {  	s7 =	simm.s32 @!p0 $0x0;
	[sflag:s26] =	ssyncset.done $0x0  }
0x3c: {  	s6 =	simm.s32 @!p0 $0xA00;
	s9 =	rddreg [dreg:$0x6];
	[sflag:s26] =	ssyncadd.s32 $0xFFFFF600  }
0x3d: {  	[tilespmem:s6], [sflag:$0x3] =	stream.linear.gather @!p0 [hbm4b:s9+s7], $0x80, $0x38;
	[tilespmem:$0xB240] =	vst v63  }
0x3e: {  	s6 =	simm.s32 @!p0 $0x3  }
0x3f: {  	_ =	swait.ge @!p0 [sflag:s6], $0x80  }
0x40: {  	[sflag:s6] =	ssyncset.done @!p0 $0x0  }
0x41: {  	s9 =	simm.s32 @!p0 $0x1480;
	s10 =	rddreg [dreg:$0x7];
	[sflag:s6] =	ssyncadd.s32 @!p0 $0xFFFFFF80  }
0x42: {  	[tilespmem:s9], [sflag:$0x3] =	stream.linear.gather @!p0 [hbm4b:s10+s7], $0x80, $0x38;
	[tilespmem:$0xB240] =	vst v63  }
0x43: {  	_ =	swait.ge @!p0 [sflag:s6], $0x80  }
0x44: {  	[sflag:s6] =	ssyncset.done @!p0 $0x0  }
0x45: {  	s7 =	simm.s32 $0x40;
	[sflag:s6] =	ssyncadd.s32 @!p0 $0xFFFFFF80  }
0x46: {  	s9 =	simm.s32 $0xAC0;
	v3 =	vld [tilespmem:s7+$0xFFFFFFC0]  }
0x47: {  	v4 =	vld [tilespmem:s9+$0xFFFFFFC0];
	_ =	sdelay $0x3  }
0x48: {  	v5 =	vshrl.u32 v3, $0x7  }
0x49: {  	v4 =	vsub.s32 v4, v0;
	v5 =	vmul.u32 $0xC000, v5  }
0x4a: {  	v6 =	vshll.u32 v4, $0x7  }
0x4b: {  	v49 =	vand.u32 $0x7F, v3;
	v5 =	vadd.s32 v5, v6  }
0x4c: {  	v3 =	vadd.s32 $0x48000, v3;
	vm0 =	vlt.u32 v4, $0x180;
	v5 =	vor.u32 v49, v5  }
0x4d: {  	s10 =	simm.s32 $0x1540;
	v3 =	vsel vm0, v5, v3  }
0x4e: {  	[tilespmem:s10+$0xFFFFFFC0] =	vst v3  }
0x4f: {  	v3 =	vld [tilespmem:s7+$0xFFFFFFD0]  }
0x50: {  	v4 =	vld [tilespmem:s9+$0xFFFFFFD0];
	_ =	sdelay $0x3  }
0x51: {  	v5 =	vshrl.u32 v3, $0x7  }
0x52: {  	v4 =	vsub.s32 v4, v0;
	v5 =	vmul.u32 $0xC000, v5  }
0x53: {  	v50 =	vshll.u32 v4, $0x7  }
0x54: {  	v51 =	vand.u32 $0x7F, v3;
	v5 =	vadd.s32 v5, v50  }
0x55: {  	v3 =	vadd.s32 $0x48000, v3;
	vm9 =	vlt.u32 v4, $0x180;
	v5 =	vor.u32 v51, v5  }
0x56: {  	v3 =	vsel vm9, v5, v3  }
0x57: {  	[tilespmem:s10+$0xFFFFFFD0] =	vst v3  }
0x58: {  	v3 =	vld [tilespmem:s7+$0xFFFFFFE0]  }
0x59: {  	v4 =	vld [tilespmem:s9+$0xFFFFFFE0];
	_ =	sdelay $0x3  }
0x5a: {  	v5 =	vshrl.u32 v3, $0x7  }
0x5b: {  	v4 =	vsub.s32 v4, v0;
	v5 =	vmul.u32 $0xC000, v5  }
0x5c: {  	v52 =	vshll.u32 v4, $0x7  }
0x5d: {  	v53 =	vand.u32 $0x7F, v3;
	v5 =	vadd.s32 v5, v52  }
0x5e: {  	v3 =	vadd.s32 $0x48000, v3;
	vm10 =	vlt.u32 v4, $0x180;
	v5 =	vor.u32 v53, v5  }
0x5f: {  	v3 =	vsel vm10, v5, v3  }
0x60: {  	[tilespmem:s10+$0xFFFFFFE0] =	vst v3  }
0x61: {  	v3 =	vld [tilespmem:s7+$0xFFFFFFF0]  }
0x62: {  	v4 =	vld [tilespmem:s9+$0xFFFFFFF0];
	_ =	sdelay $0x3  }
0x63: {  	v5 =	vshrl.u32 v3, $0x7  }
0x64: {  	v4 =	vsub.s32 v4, v0;
	v5 =	vmul.u32 $0xC000, v5  }
0x65: {  	v54 =	vshll.u32 v4, $0x7  }
0x66: {  	v55 =	vand.u32 $0x7F, v3;
	v5 =	vadd.s32 v5, v54  }
0x67: {  	v3 =	vadd.s32 $0x48000, v3;
	vm11 =	vlt.u32 v4, $0x180;
	v5 =	vor.u32 v55, v5  }
0x68: {  	v3 =	vsel vm11, v5, v3  }
0x69: {  	[tilespmem:s10+$0xFFFFFFF0] =	vst v3  }
0x6a: {  	v3 =	vld [tilespmem:s7+$0x0]  }
0x6b: {  	v4 =	vld [tilespmem:s9+$0x0];
	_ =	sdelay $0x3  }
0x6c: {  	v5 =	vshrl.u32 v3, $0x7  }
0x6d: {  	v4 =	vsub.s32 v4, v0;
	v5 =	vmul.u32 $0xC000, v5  }
0x6e: {  	v56 =	vshll.u32 v4, $0x7  }
0x6f: {  	v57 =	vand.u32 $0x7F, v3;
	v5 =	vadd.s32 v5, v56  }
0x70: {  	v3 =	vadd.s32 $0x48000, v3;
	vm12 =	vlt.u32 v4, $0x180;
	v5 =	vor.u32 v57, v5  }
0x71: {  	v3 =	vsel vm12, v5, v3  }
0x72: {  	[tilespmem:s10+$0x0] =	vst v3  }
0x73: {  	v3 =	vld [tilespmem:s7+$0x10]  }
0x74: {  	v4 =	vld [tilespmem:s9+$0x10];
	_ =	sdelay $0x3  }
0x75: {  	v5 =	vshrl.u32 v3, $0x7  }
0x76: {  	v4 =	vsub.s32 v4, v0;
	v5 =	vmul.u32 $0xC000, v5  }
0x77: {  	v58 =	vshll.u32 v4, $0x7  }
0x78: {  	v59 =	vand.u32 $0x7F, v3;
	v5 =	vadd.s32 v5, v58  }
0x79: {  	v3 =	vadd.s32 $0x48000, v3;
	vm13 =	vlt.u32 v4, $0x180;
	v5 =	vor.u32 v59, v5  }
0x7a: {  	v3 =	vsel vm13, v5, v3  }
0x7b: {  	[tilespmem:s10+$0x10] =	vst v3  }
0x7c: {  	v3 =	vld [tilespmem:s7+$0x20]  }
0x7d: {  	v4 =	vld [tilespmem:s9+$0x20];
	_ =	sdelay $0x3  }
0x7e: {  	v5 =	vshrl.u32 v3, $0x7  }
0x7f: {  	v4 =	vsub.s32 v4, v0;
	v5 =	vmul.u32 $0xC000, v5  }
0x80: {  	v60 =	vshll.u32 v4, $0x7  }
0x81: {  	v61 =	vand.u32 $0x7F, v3;
	v5 =	vadd.s32 v5, v60  }
0x82: {  	v3 =	vadd.s32 $0x48000, v3;
	vm14 =	vlt.u32 v4, $0x180;
	v5 =	vor.u32 v61, v5  }
0x83: {  	v3 =	vsel vm14, v5, v3  }
0x84: {  	[tilespmem:s10+$0x20] =	vst v3  }
0x85: {  	v3 =	vld [tilespmem:s7+$0x30]  }
0x86: {  	v4 =	vld [tilespmem:s9+$0x30];
	_ =	sdelay $0x1  }
0x87: {  	s11 =	simm.s32 @!p0 $0x15  }
0x88: {  	s11 =	simm.s32 @p0 $0x14  }
0x89: {  	p1 =	sne.s32 s11, $0x1;
	v5 =	vshrl.u32 v3, $0x7  }
.Ltmp1:
0x8a: {  	v4 =	vsub.s32 v4, v0;
	v5 =	vmul.u32 $0xC000, v5;
	(pc) =	sbr.rel @!p1 .LBB2_5-.Ltmp1, $4  }
0x8b: {  	v62 =	vshll.u32 v4, $0x7  }
0x8c: {  	v63 =	vand.u32 $0x7F, v3;
	v5 =	vadd.s32 v5, v62  }
0x8d: {  	v3 =	vadd.s32 $0x48000, v3;
	vm15 =	vlt.u32 v4, $0x180;
	v5 =	vor.u32 v63, v5  }
0x8e: {  	s11 =	sadd.s32 $0xFFFFFFFF, s11;
	v3 =	vsel vm15, v5, v3  }
.LBB2_4:
0x8f: {  	[tilespmem:s10+$0x30] =	vst v3;
	s10 =	sadd.s32 $0x80, s10;
	s9 =	sadd.s32 $0x80, s9;
	s7 =	sadd.s32 $0x80, s7  }
0x90: {  	p1 =	sne.s32 s11, $0x1;
	s11 =	sadd.s32 $0xFFFFFFFF, s11;
	v3 =	vld [tilespmem:s7+$0xFFFFFFC0]  }
0x91: {  	v4 =	vld [tilespmem:s9+$0xFFFFFFC0];
	_ =	sdelay $0x3  }
0x92: {  	v5 =	vshrl.u32 v3, $0x7  }
0x93: {  	v4 =	vsub.s32 v4, v0;
	v5 =	vmul.u32 $0xC000, v5  }
0x94: {  	v6 =	vshll.u32 v4, $0x7  }
0x95: {  	v5 =	vadd.s32 v5, v6;
	v6 =	vand.u32 $0x7F, v3  }
0x96: {  	vm0 =	vlt.u32 v4, $0x180;
	v3 =	vadd.s32 $0x48000, v3;
	v5 =	vor.u32 v6, v5  }
0x97: {  	v3 =	vsel vm0, v5, v3  }
0x98: {  	[tilespmem:s10+$0xFFFFFFC0] =	vst v3  }
0x99: {  	v3 =	vld [tilespmem:s7+$0xFFFFFFD0]  }
0x9a: {  	v4 =	vld [tilespmem:s9+$0xFFFFFFD0];
	_ =	sdelay $0x3  }
0x9b: {  	v5 =	vshrl.u32 v3, $0x7  }
0x9c: {  	v4 =	vsub.s32 v4, v0;
	v5 =	vmul.u32 $0xC000, v5  }
0x9d: {  	v6 =	vshll.u32 v4, $0x7  }
0x9e: {  	v5 =	vadd.s32 v5, v6;
	v6 =	vand.u32 $0x7F, v3  }
0x9f: {  	vm0 =	vlt.u32 v4, $0x180;
	v3 =	vadd.s32 $0x48000, v3;
	v5 =	vor.u32 v6, v5  }
0xa0: {  	v3 =	vsel vm0, v5, v3  }
0xa1: {  	[tilespmem:s10+$0xFFFFFFD0] =	vst v3  }
0xa2: {  	v3 =	vld [tilespmem:s7+$0xFFFFFFE0]  }
0xa3: {  	v4 =	vld [tilespmem:s9+$0xFFFFFFE0];
	_ =	sdelay $0x3  }
0xa4: {  	v5 =	vshrl.u32 v3, $0x7  }
0xa5: {  	v4 =	vsub.s32 v4, v0;
	v5 =	vmul.u32 $0xC000, v5  }
0xa6: {  	v6 =	vshll.u32 v4, $0x7  }
0xa7: {  	v5 =	vadd.s32 v5, v6;
	v6 =	vand.u32 $0x7F, v3  }
0xa8: {  	vm0 =	vlt.u32 v4, $0x180;
	v3 =	vadd.s32 $0x48000, v3;
	v5 =	vor.u32 v6, v5  }
0xa9: {  	v3 =	vsel vm0, v5, v3  }
0xaa: {  	[tilespmem:s10+$0xFFFFFFE0] =	vst v3  }
0xab: {  	v3 =	vld [tilespmem:s7+$0xFFFFFFF0]  }
0xac: {  	v4 =	vld [tilespmem:s9+$0xFFFFFFF0];
	_ =	sdelay $0x3  }
0xad: {  	v5 =	vshrl.u32 v3, $0x7  }
0xae: {  	v4 =	vsub.s32 v4, v0;
	v5 =	vmul.u32 $0xC000, v5  }
0xaf: {  	v6 =	vshll.u32 v4, $0x7  }
0xb0: {  	v5 =	vadd.s32 v5, v6;
	v6 =	vand.u32 $0x7F, v3  }
0xb1: {  	vm0 =	vlt.u32 v4, $0x180;
	v3 =	vadd.s32 $0x48000, v3;
	v5 =	vor.u32 v6, v5  }
0xb2: {  	v3 =	vsel vm0, v5, v3  }
0xb3: {  	[tilespmem:s10+$0xFFFFFFF0] =	vst v3  }
0xb4: {  	v3 =	vld [tilespmem:s7+$0x0]  }
0xb5: {  	v4 =	vld [tilespmem:s9+$0x0];
	_ =	sdelay $0x3  }
0xb6: {  	v5 =	vshrl.u32 v3, $0x7  }
0xb7: {  	v4 =	vsub.s32 v4, v0;
	v5 =	vmul.u32 $0xC000, v5  }
0xb8: {  	v6 =	vshll.u32 v4, $0x7  }
0xb9: {  	v5 =	vadd.s32 v5, v6;
	v6 =	vand.u32 $0x7F, v3  }
0xba: {  	vm0 =	vlt.u32 v4, $0x180;
	v3 =	vadd.s32 $0x48000, v3;
	v5 =	vor.u32 v6, v5  }
0xbb: {  	v3 =	vsel vm0, v5, v3  }
0xbc: {  	[tilespmem:s10+$0x0] =	vst v3  }
0xbd: {  	v3 =	vld [tilespmem:s7+$0x10]  }
0xbe: {  	v4 =	vld [tilespmem:s9+$0x10];
	_ =	sdelay $0x3  }
0xbf: {  	v5 =	vshrl.u32 v3, $0x7  }
0xc0: {  	v4 =	vsub.s32 v4, v0;
	v5 =	vmul.u32 $0xC000, v5  }
0xc1: {  	v6 =	vshll.u32 v4, $0x7  }
0xc2: {  	v5 =	vadd.s32 v5, v6;
	v6 =	vand.u32 $0x7F, v3  }
0xc3: {  	vm0 =	vlt.u32 v4, $0x180;
	v3 =	vadd.s32 $0x48000, v3;
	v5 =	vor.u32 v6, v5  }
0xc4: {  	v3 =	vsel vm0, v5, v3  }
0xc5: {  	[tilespmem:s10+$0x10] =	vst v3  }
0xc6: {  	v3 =	vld [tilespmem:s7+$0x20]  }
0xc7: {  	v4 =	vld [tilespmem:s9+$0x20];
	_ =	sdelay $0x3  }
0xc8: {  	v5 =	vshrl.u32 v3, $0x7  }
0xc9: {  	v4 =	vsub.s32 v4, v0;
	v5 =	vmul.u32 $0xC000, v5  }
0xca: {  	v6 =	vshll.u32 v4, $0x7  }
0xcb: {  	v5 =	vadd.s32 v5, v6;
	v6 =	vand.u32 $0x7F, v3  }
0xcc: {  	vm0 =	vlt.u32 v4, $0x180;
	v3 =	vadd.s32 $0x48000, v3;
	v5 =	vor.u32 v6, v5  }
0xcd: {  	v3 =	vsel vm0, v5, v3  }
0xce: {  	[tilespmem:s10+$0x20] =	vst v3  }
0xcf: {  	v3 =	vld [tilespmem:s7+$0x30]  }
0xd0: {  	v4 =	vld [tilespmem:s9+$0x30];
	_ =	sdelay $0x3  }
0xd1: {  	v5 =	vshrl.u32 v3, $0x7  }
.Ltmp2:
0xd2: {  	v4 =	vsub.s32 v4, v0;
	v5 =	vmul.u32 $0xC000, v5;
	(pc) =	sbr.rel @p1 .LBB2_4-.Ltmp2, $4  }
0xd3: {  	v6 =	vshll.u32 v4, $0x7  }
0xd4: {  	v5 =	vadd.s32 v5, v6;
	v6 =	vand.u32 $0x7F, v3  }
0xd5: {  	vm0 =	vlt.u32 v4, $0x180;
	v3 =	vadd.s32 $0x48000, v3;
	v5 =	vor.u32 v6, v5  }
0xd6: {  	v3 =	vsel vm0, v5, v3  }
.LBB2_5:
0xd7: {  	[tilespmem:s10+$0x30] =	vst v3  }
0xd8: {  	_ =	swait.ge [sflag:s26], $0x4840  }
0xd9: {  	[sflag:s26] =	ssyncset.done $0x0  }
0xda: {  	[sflag:s26] =	ssyncadd.s32 $0xFFFFB7C0  }
0xdb: {  	s7 =	simm.s32 $0x1500;
	[bflag:$0x0] =	sbarrier.arrive $0xFFFF  }
0xdc: {  	[spmem:s2] =	stream.indirect.scatter.add.f32 [tilespmem:s29], [sflag:$0x1], $0x1, s7, s22, $0xb8;
	[tilespmem:$0xB240] =	vst v63  }
0xdd: {  	s9 =	simm.s32 $0x1580  }
0xde: {  	[spmem:s2] =	stream.indirect.scatter.add.f32 [tilespmem:s29], [sflag:$0x1], $0x1, s9, s22, $0xb8;
	[tilespmem:$0xB240] =	vst v63  }
0xdf: {  	s10 =	simm.s32 $0x1600  }
0xe0: {  	[spmem:s2] =	stream.indirect.scatter.add.f32 [tilespmem:s29], [sflag:$0x1], $0x1, s10, s22, $0xb8;
	[tilespmem:$0xB240] =	vst v63  }
0xe1: {  	s11 =	simm.s32 $0x1680  }
0xe2: {  	[spmem:s2] =	stream.indirect.scatter.add.f32 [tilespmem:s29], [sflag:$0x1], $0x1, s11, s22, $0xb8;
	[tilespmem:$0xB240] =	vst v63  }
0xe3: {  	s9 =	simm.s32 $0x1700  }
0xe4: {  	[spmem:s2] =	stream.indirect.scatter.add.f32 [tilespmem:s29], [sflag:$0x1], $0x1, s9, s22, $0xb8;
	[tilespmem:$0xB240] =	vst v63  }
0xe5: {  	s10 =	simm.s32 $0x1780  }
0xe6: {  	[spmem:s2] =	stream.indirect.scatter.add.f32 [tilespmem:s29], [sflag:$0x1], $0x1, s10, s22, $0xb8;
	[tilespmem:$0xB240] =	vst v63  }
0xe7: {  	s11 =	simm.s32 $0x1800  }
0xe8: {  	[spmem:s2] =	stream.indirect.scatter.add.f32 [tilespmem:s29], [sflag:$0x1], $0x1, s11, s22, $0xb8;
	[tilespmem:$0xB240] =	vst v63  }
0xe9: {  	s9 =	simm.s32 $0x1880  }
0xea: {  	[spmem:s2] =	stream.indirect.scatter.add.f32 [tilespmem:s29], [sflag:$0x1], $0x1, s9, s22, $0xb8;
	[tilespmem:$0xB240] =	vst v63  }
0xeb: {  	s10 =	simm.s32 $0x1900  }
0xec: {  	[spmem:s2] =	stream.indirect.scatter.add.f32 [tilespmem:s29], [sflag:$0x1], $0x1, s10, s22, $0xb8;
	[tilespmem:$0xB240] =	vst v63  }
0xed: {  	s11 =	simm.s32 $0x1980  }
0xee: {  	[spmem:s2] =	stream.indirect.scatter.add.f32 [tilespmem:s29], [sflag:$0x1], $0x1, s11, s22, $0xb8;
	[tilespmem:$0xB240] =	vst v63  }
0xef: {  	s9 =	simm.s32 $0x1A00  }
0xf0: {  	[spmem:s2] =	stream.indirect.scatter.add.f32 [tilespmem:s29], [sflag:$0x1], $0x1, s9, s22, $0xb8;
	[tilespmem:$0xB240] =	vst v63  }
0xf1: {  	s10 =	simm.s32 $0x1A80  }
0xf2: {  	[spmem:s2] =	stream.indirect.scatter.add.f32 [tilespmem:s29], [sflag:$0x1], $0x1, s10, s22, $0xb8;
	[tilespmem:$0xB240] =	vst v63  }
0xf3: {  	s11 =	simm.s32 $0x1B00  }
0xf4: {  	[spmem:s2] =	stream.indirect.scatter.add.f32 [tilespmem:s29], [sflag:$0x1], $0x1, s11, s22, $0xb8;
	[tilespmem:$0xB240] =	vst v63  }
0xf5: {  	s9 =	simm.s32 $0x1B80  }
0xf6: {  	[spmem:s2] =	stream.indirect.scatter.add.f32 [tilespmem:s29], [sflag:$0x1], $0x1, s9, s22, $0xb8;
	[tilespmem:$0xB240] =	vst v63  }
0xf7: {  	s10 =	simm.s32 $0x1C00  }
0xf8: {  	[spmem:s2] =	stream.indirect.scatter.add.f32 [tilespmem:s29], [sflag:$0x1], $0x1, s10, s22, $0xb8;
	[tilespmem:$0xB240] =	vst v63  }
0xf9: {  	s11 =	simm.s32 $0x1C80  }
0xfa: {  	[spmem:s2] =	stream.indirect.scatter.add.f32 [tilespmem:s29], [sflag:$0x1], $0x1, s11, s22, $0xb8;
	[tilespmem:$0xB240] =	vst v63  }
0xfb: {  	s9 =	simm.s32 $0x1D00  }
0xfc: {  	[spmem:s2] =	stream.indirect.scatter.add.f32 [tilespmem:s29], [sflag:$0x1], $0x1, s9, s22, $0xb8;
	[tilespmem:$0xB240] =	vst v63  }
0xfd: {  	s10 =	simm.s32 $0x1D80  }
0xfe: {  	[spmem:s2] =	stream.indirect.scatter.add.f32 [tilespmem:s29], [sflag:$0x1], $0x1, s10, s22, $0xb8;
	[tilespmem:$0xB240] =	vst v63  }
0xff: {  	s11 =	simm.s32 $0x1E00  }
0x100: {  	[spmem:s2] =	stream.indirect.scatter.add.f32 [tilespmem:s29], [sflag:$0x1], $0x1, s11, s22, $0xb8;
	[tilespmem:$0xB240] =	vst v63  }
0x101: {  	s9 =	simm.s32 $0x1E80  }
0x102: {  	[spmem:s2] =	stream.indirect.scatter.add.f32 [tilespmem:s29], [sflag:$0x1], $0x1, s9, s22, $0xb8;
	[tilespmem:$0xB240] =	vst v63  }
0x103: {  	s7 =	simm.s32 @!p0 $0x80;
	s10 =	simm.s32 @!p0 $0x2100;
	s9 =	simm.s32 @!p0 $0x1F00  }
0x104: {  	[spmem:s2] =	stream.indirect.scatter.add.f32 @!p0 [tilespmem:s10], [sflag:$0x3], $0x1, s9, s7, $0xb8;
	[tilespmem:$0xB240] =	vst v63  }
0x105: {  	_ =	swait.ge @!p0 [sflag:s6], $0x80  }
0x106: {  	[sflag:s6] =	ssyncset.done @!p0 $0x0  }
0x107: {  	[sflag:s6] =	ssyncadd.s32 @!p0 $0xFFFFFF80  }
0x108: {  	_ =	swait.ge [sflag:s26], $0xA00  }
0x109: {  	[sflag:s26] =	ssyncset.done $0x0  }
0x10a: {  	[sflag:s26] =	ssyncadd.s32 $0xFFFFF600  }
0x10b: {  	[bflag:$0x0] =	sbarrier.arrive $0xFFFF  }
0x10c: {  	[tilespmem:s25], [sflag:$0x1] =	stream.linear.gather [spmem:s8], $0xC00, $0x38;
	[tilespmem:$0xB240] =	vst v63  }
0x10d: {  	s10 =	rddreg [dreg:$0x8]  }
0x10e: {  	[tilespmem:s31], [sflag:$0x1] =	stream.linear.gather [spmem:s10], $0xC00, $0x38;
	[tilespmem:$0xB240] =	vst v63  }
0x10f: {  	s11 =	rddreg [dreg:$0x9]  }
0x110: {  	[tilespmem:s1], [sflag:$0x1] =	stream.linear.gather [spmem:s11], $0xC00, $0x38;
	[tilespmem:$0xB240] =	vst v63  }
0x111: {  	_ = 	snop  }
0x112: {  	[tilespmem:s0], [sflag:$0x1] =	stream.linear.gather [spmem:s12], $0xC00, $0x38;
	[tilespmem:$0xB240] =	vst v63  }
0x113: {  	_ = 	snop  }
0x114: {  	[tilespmem:s24], [sflag:$0x1] =	stream.linear.gather [spmem:s13], $0xC00, $0x38;
	[tilespmem:$0xB240] =	vst v63  }
0x115: {  	_ = 	snop  }
0x116: {  	[tilespmem:s28], [sflag:$0x1] =	stream.linear.gather [spmem:s14], $0xC00, $0x38;
	[tilespmem:$0xB240] =	vst v63  }
0x117: {  	_ =	swait.ge [sflag:s26], $0xC00  }
0x118: {  	[sflag:s26] =	ssyncset.done $0x0  }
0x119: {  	[sflag:s26] =	ssyncadd.s32 $0xFFFFF400  }
0x11a: {  	[hbm4b:s15+s3] =	stream.linear.scatter [tilespmem:s25], [sflag:$0x2], $0xC00, $0x38;
	[tilespmem:$0xB240] =	vst v63  }
0x11b: {  	_ =	swait.ge [sflag:s26], $0xC00  }
0x11c: {  	[sflag:s26] =	ssyncset.done $0x0  }
0x11d: {  	[sflag:s26] =	ssyncadd.s32 $0xFFFFF400  }
0x11e: {  	[hbm4b:s16+s3] =	stream.linear.scatter [tilespmem:s31], [sflag:$0x2], $0xC00, $0x38;
	[tilespmem:$0xB240] =	vst v63  }
0x11f: {  	_ =	swait.ge [sflag:s26], $0xC00  }
0x120: {  	[sflag:s26] =	ssyncset.done $0x0  }
0x121: {  	[sflag:s26] =	ssyncadd.s32 $0xFFFFF400  }
0x122: {  	[hbm4b:s17+s3] =	stream.linear.scatter [tilespmem:s1], [sflag:$0x2], $0xC00, $0x38;
	[tilespmem:$0xB240] =	vst v63  }
0x123: {  	_ =	swait.ge [sflag:s26], $0xC00  }
0x124: {  	[sflag:s26] =	ssyncset.done $0x0  }
0x125: {  	[sflag:s26] =	ssyncadd.s32 $0xFFFFF400  }
0x126: {  	[hbm4b:s18+s3] =	stream.linear.scatter [tilespmem:s0], [sflag:$0x2], $0xC00, $0x38;
	[tilespmem:$0xB240] =	vst v63  }
0x127: {  	_ =	swait.ge [sflag:s26], $0xC00  }
0x128: {  	[sflag:s26] =	ssyncset.done $0x0  }
0x129: {  	[sflag:s26] =	ssyncadd.s32 $0xFFFFF400  }
0x12a: {  	[hbm4b:s19+s3] =	stream.linear.scatter [tilespmem:s24], [sflag:$0x2], $0xC00, $0x38;
	[tilespmem:$0xB240] =	vst v63  }
0x12b: {  	s5 =	sadd.s32 $0x1, s5;
	_ =	swait.ge [sflag:s26], $0xC00  }
0x12c: {  	p1 =	sne.s32 s5, s21;
	[sflag:s26] =	ssyncset.done $0x0  }
.Ltmp3:
0x12d: {  	[sflag:s26] =	ssyncadd.s32 $0xFFFFF400;
	(pc) =	sbr.rel @p1 .LBB2_1-.Ltmp3, $4  }
0x12e: {  	[hbm4b:s20+s3] =	stream.linear.scatter [tilespmem:s28], [sflag:$0x2], $0xC00, $0x38;
	[tilespmem:$0xB240] =	vst v63  }
0x12f: {  	_ =	swait.ge [sflag:s30], $0x4800  }
0x130: {  	[sflag:s30] =	ssyncset.done $0x0  }
0x131: {  	[sflag:s30] =	ssyncadd.s32 $0xFFFFB800  }
0x132: {  	_ =	sfence.sel $0x180000  }
0x133: {  	[bflag:$0x0] =	sbarrier.arrive $0xFFFF  }
0x134: {  	_ =	strace $0x90000047  }
0x135: {  	s0 =	stileid.u32;
	[bflag:$0x2] =	sbarrier.arrive $0xFFFF  }
0x136: {  	p0 =	sne.s32 s0, $0x0;
	s0 =	rddreg [dreg:$0x3]  }
0x137: {  	s0 =	sadd.s32 @!p0 $0x100000, s0  }
0x138: {  	[sflag:s0] =	ssyncadd.tile.s32 @!p0 $0x1;
	_ =	shalt  }
.Lfunc_end2:
_tile_overlayer_lowered:
.L_overlay_start_2:
0x139: {  	(tag) =	ssettag $0x2  }
0x13a: {  	s0 =	rddreg [dreg:$0x0];
	s2 =	stileid.u32  }
0x13b: {  	s1 =	rddreg [dreg:$0x1];
	p0 =	sne.s32 s2, $0x0  }
0x13c: {  	s3 =	rddreg [dreg:$0x2];
	[bflag:$0x3] =	sbarrier.arrive $0xFFFF;
	s2 =	simm.s32 @!p0 $0x1C03  }
0x13d: {  	[timem:s3], [sflag:s2] =	dma.local @!p0 [hbm:s0], s1  }
0x13e: {  	s0 =	simm.s32 @!p0 $0x3  }
0x13f: {  	_ =	swait.ge @!p0 [sflag:s0], s1  }
0x140: {  	s1 =	ssub.s32 @!p0 $0x0, s1;
	[sflag:s0] =	ssyncset.done @!p0 $0x0  }
0x141: {  	[sflag:s0] =	ssyncadd.s32 @!p0 s1  }
0x142: {  	[bflag:$0x3] =	sbarrier.arrive $0xFFFF  }
0x143: {  	_ =	shalt  }

</sc_bundles>
